<compile_context>
chip_gen: v7x
topology: tpu7x:2x2x1
jax: 0.10.2.dev20260603
libtpu: 0.0.44.dev20260713+nightly
codegen_flags: <defaults>
</compile_context>

<pallas_src>
import functools

import jax
import jax.numpy as jnp
from jax.experimental import pallas as pl
from jax.experimental.pallas import tpu as pltpu
from jax.experimental.pallas import tpu_sc as plsc

B = 16
D = 64
S = 32 * 32
K = 1024
N = B * S
COMMITMENT_COST = 0.25

BB = 2
M = BB * S


def _tc_a(z_ref, w_ref, idx_ref, loss_ref, acc_ref):
    b = pl.program_id(0)

    w = w_ref[...]

    zt = jnp.concatenate([z_ref[i].T for i in range(BB)], axis=0)

    mm2 = jax.lax.dot_general(
        zt, w + w, (((1,), (1,)), ((), ())),
        preferred_element_type=jnp.float32)
    zsq = jnp.sum(zt * zt, axis=1, keepdims=True)
    wsq = jnp.sum(w * w, axis=1).reshape(1, K)
    dist = (zsq + wsq) - mm2

    iota = jax.lax.broadcasted_iota(jnp.int32, (M, K), 1)
    mval = jnp.min(dist, axis=1, keepdims=True)
    idx = jnp.min(jnp.where(dist == mval, iota, K), axis=1).reshape(M, 1)
    idx_ref[0] = idx

    sq = jnp.sum(mval)

    @pl.when(b == 0)
    def _init():
        acc_ref[0, 0] = sq

    @pl.when(b > 0)
    def _acc():
        acc_ref[0, 0] += sq

    @pl.when(b == B // BB - 1)
    def _fin():
        loss = (1.0 + COMMITMENT_COST) * acc_ref[0, 0] / jnp.float32(N * D)
        loss_ref[...] = loss.reshape(1, 1)


_INFO = plsc.get_sparse_core_info()
_NC, _NS, _L = _INFO.num_cores, _INFO.num_subcores, _INFO.num_lanes
_NW = _NC * _NS
_BPW = N // _NW
_CHUNK = 128


def _sc_body(w_hbm, idx_hbm, qrows_hbm, hist_hbm, idx_v, rows_v, cnt_v, sem):
    wid = jax.lax.axis_index("s") * _NC + jax.lax.axis_index("c")
    base = wid * _BPW
    pltpu.sync_copy(idx_hbm.at[pl.ds(base, _BPW)], idx_v)
    copies = [
        pltpu.async_copy(
            w_hbm.at[idx_v.at[pl.ds(j * _CHUNK, _CHUNK)]],
            rows_v.at[pl.ds(j * _CHUNK, _CHUNK)],
            sem,
        )
        for j in range(_BPW // _CHUNK)
    ]
    for c in copies:
        c.wait()
    pltpu.sync_copy(rows_v, qrows_hbm.at[pl.ds(base, _BPW)])

    zeros = jnp.zeros((_L,), jnp.float32)
    for i in range(K // _L):
        cnt_v[pl.ds(i * _L, _L)] = zeros
    ones = jnp.ones((_L,), jnp.float32)
    for i in range(_BPW // _L):
        iv = idx_v[pl.ds(i * _L, _L)]
        plsc.addupdate_scatter(cnt_v, [iv], ones)
    pltpu.sync_copy(cnt_v, hist_hbm.at[wid])


_sc_gather = functools.partial(
    pl.kernel,
    mesh=plsc.VectorSubcoreMesh(core_axis_name="c", subcore_axis_name="s"),
    compiler_params=pltpu.CompilerParams(
        needs_layout_passes=False, use_tc_tiling_on_sc=False),
    out_type=[
        jax.ShapeDtypeStruct((N, D), jnp.float32),
        jax.ShapeDtypeStruct((_NW, K), jnp.float32),
    ],
    scratch_types=[
        pltpu.VMEM((_BPW,), jnp.int32),
        pltpu.VMEM((_BPW, D), jnp.float32),
        pltpu.VMEM((K,), jnp.float32),
        pltpu.SemaphoreType.DMA,
    ],
)(_sc_body)


def _tc_c(z_ref, qr_ref, hist_ref, out_ref, perp_ref):
    b = pl.program_id(0)
    for i in range(BB):
        z_i = z_ref[i]
        q = qr_ref[i].T
        out_ref[i] = z_i + (q - z_i)

    @pl.when(b == B // BB - 1)
    def _fin():
        counts = jnp.sum(hist_ref[...], axis=0, keepdims=True)
        probs = counts / jnp.float32(N)
        ent = -jnp.sum(probs * jnp.log(probs + 1e-10))
        perp_ref[...] = jnp.exp(ent).reshape(1, 1)


def kernel(z, W):
    z3 = z.reshape(B, D, S)
    idx_arr, loss = pl.pallas_call(
        _tc_a,
        grid=(B // BB,),
        in_specs=[
            pl.BlockSpec((BB, D, S), lambda b: (b, 0, 0)),
            pl.BlockSpec((K, D), lambda b: (0, 0)),
        ],
        out_specs=[
            pl.BlockSpec((1, M, 1), lambda b: (b, 0, 0)),
            pl.BlockSpec((1, 1), lambda b: (0, 0)),
        ],
        out_shape=[
            jax.ShapeDtypeStruct((B // BB, M, 1), jnp.int32),
            jax.ShapeDtypeStruct((1, 1), jnp.float32),
        ],
        scratch_shapes=[
            pltpu.SMEM((1, 1), jnp.float32),
        ],
    )(z3, W)

    qrows, hist = _sc_gather(W, idx_arr.reshape(N))

    out, perp = pl.pallas_call(
        _tc_c,
        grid=(B // BB,),
        in_specs=[
            pl.BlockSpec((BB, D, S), lambda b: (b, 0, 0)),
            pl.BlockSpec((BB, S, D), lambda b: (b, 0, 0)),
            pl.BlockSpec((_NW, K), lambda b: (0, 0)),
        ],
        out_specs=[
            pl.BlockSpec((BB, D, S), lambda b: (b, 0, 0)),
            pl.BlockSpec((1, 1), lambda b: (0, 0)),
        ],
        out_shape=[
            jax.ShapeDtypeStruct((B, D, S), jnp.float32),
            jax.ShapeDtypeStruct((1, 1), jnp.float32),
        ],
    )(z3, qrows.reshape(B, S, D), hist)

    return (out.reshape(B, D, 32, 32), loss[0, 0], perp[0, 0])

# --- scband reference (transcript-rebuilt; emitter-appended) ---
"""Pipeline reference for scband-vector-quantizer-32727650795873 (READ-ONLY COPY).

The authoritative reference and input builder live on the scoring server;
editing this copy changes nothing except your own understanding.
"""

import jax, jax.numpy as jnp
import numpy as np

NUM_EMBEDDINGS = 1024
EMBEDDING_DIM = 64
COMMITMENT_COST = 0.25


def setup_inputs(seed: int = 0) -> dict:
    key = jax.random.key(seed)
    k1, k2 = jax.random.split(key)
    z = jax.random.normal(k1, (16, EMBEDDING_DIM, 32, 32), dtype=jnp.float32)
    W = jax.random.uniform(k2, (NUM_EMBEDDINGS, EMBEDDING_DIM), dtype=jnp.float32,
                           minval=-1.0 / NUM_EMBEDDINGS, maxval=1.0 / NUM_EMBEDDINGS)
    return {"z": z, "W": W}


def reference(z, W):
    # z: (B, D, H, W) -> (B, H, W, D)
    zp = jnp.transpose(z, (0, 2, 3, 1))
    z_shape = zp.shape
    z_flat = zp.reshape(-1, EMBEDDING_DIM)
    distances = (jnp.sum(z_flat ** 2, axis=1, keepdims=True)
                 + jnp.sum(W ** 2, axis=1)
                 - 2.0 * jnp.matmul(z_flat, W.T))
    encoding_indices = jnp.argmin(distances, axis=1)
    quantized_flat = jnp.take(W, encoding_indices, axis=0)
    quantized = quantized_flat.reshape(z_shape)
    vq_loss = jnp.mean((quantized - jax.lax.stop_gradient(zp)) ** 2)
    commitment_loss = jnp.mean((zp - jax.lax.stop_gradient(quantized)) ** 2)
    loss = vq_loss + COMMITMENT_COST * commitment_loss
    quantized_st = zp + jax.lax.stop_gradient(quantized - zp)
    encodings = jax.nn.one_hot(encoding_indices, NUM_EMBEDDINGS, dtype=jnp.float32)
    avg_probs = jnp.mean(encodings, axis=0)
    perplexity = jnp.exp(-jnp.sum(avg_probs * jnp.log(avg_probs + 1e-10)))
    quantized_out = jnp.transpose(quantized_st, (0, 3, 1, 2))
    return (quantized_out, loss, perplexity)

if __name__ == "__main__":
    import jax
    _d = setup_inputs()
    print(jax.jit(kernel)(*tuple(_d.values())))

</pallas_src>

<mosaic_0001>
#map = affine_map<(d0, d1) -> (0, 0)>
#map1 = affine_map<(d0, d1) -> (0)>
module attributes {stable_mosaic.version = 14 : i64} {
  func.func @_sc_body(%arg0: i32, %arg1: i32, %arg2: memref<1024x64xf32, #tpu.memory_space<hbm>>, %arg3: memref<16384xi32, #tpu.memory_space<hbm>>, %arg4: memref<16384x64xf32, #tpu.memory_space<hbm>>, %arg5: memref<32x1024xf32, #tpu.memory_space<hbm>>, %arg6: memref<512xi32, #tpu.memory_space<vmem>>, %arg7: memref<512x64xf32, #tpu.memory_space<vmem>>, %arg8: memref<1024xf32, #tpu.memory_space<vmem>>, %arg9: memref<!tpu.dma_semaphore, #tpu.memory_space<semaphore_mem>>) attributes {dimension_semantics = [#tpu.dimension_semantics<core_parallel>, #tpu.dimension_semantics<subcore_parallel>], iteration_bounds = array<i64: 2, 16>, scalar_prefetch = 0 : i64, scratch_operands = 4 : i64, tpu.core_type = #tpu.core_type<sc_vector_subcore>, window_params = [{transform_indices = #map}, {transform_indices = #map1}, {transform_indices = #map}, {transform_indices = #map}]} {
    %mul3A = arith.constant 2 : i32
    %mul3A_0 = arith.muli %arg1, %mul3A : i32
    %add3A = arith.addi %mul3A_0, %arg0 : i32
    %mul3A_1 = arith.constant 512 : i32
    %mul3A_2 = arith.muli %add3A, %mul3A_1 : i32
    "tpu.region"() ({
      %run_scoped3A = tpu.sem_alloc : memref<!tpu.dma_semaphore, #tpu.memory_space<semaphore_mem>>
      %dma_start3A_258 = tpu.memref_slice %arg3[%mul3A_2] : memref<16384xi32, #tpu.memory_space<hbm>> -> memref<512xi32, #tpu.memory_space<hbm>>
      %dma_start3A_259 = tpu.memref_slice %arg3[%mul3A_2] : memref<16384xi32, #tpu.memory_space<hbm>> -> memref<512xi32, #tpu.memory_space<hbm>>
      tpu.enqueue_dma source(%dma_start3A_259 : memref<512xi32, #tpu.memory_space<hbm>>) target(%arg6 : memref<512xi32, #tpu.memory_space<vmem>>) target_semaphore(%run_scoped3A : memref<!tpu.dma_semaphore, #tpu.memory_space<semaphore_mem>>)
      %dma_wait3A_260 = tpu.memref_slice %arg3[%mul3A_2] : memref<16384xi32, #tpu.memory_space<hbm>> -> memref<512xi32, #tpu.memory_space<hbm>>
      %dma_wait3A_261 = tpu.memref_slice %arg3[%mul3A_2] : memref<16384xi32, #tpu.memory_space<hbm>> -> memref<512xi32, #tpu.memory_space<hbm>>
      tpu.wait_dma2 semaphore(%run_scoped3A : memref<!tpu.dma_semaphore, #tpu.memory_space<semaphore_mem>>) src(%dma_wait3A_261 : memref<512xi32, #tpu.memory_space<hbm>>) dst(%arg6 : memref<512xi32, #tpu.memory_space<vmem>>)
      tpu.yield
    }) : () -> ()
    %dma_start3A = arith.constant 0 : i32
    %dma_start3A_3 = arith.constant 0 : i32
    %dma_start3A_4 = tpu.memref_slice %arg7[%dma_start3A, %dma_start3A_3] : memref<512x64xf32, #tpu.memory_space<vmem>> -> memref<128x64xf32, #tpu.memory_space<vmem>>
    %dma_start3A_5 = arith.constant 0 : i32
    %dma_start3A_6 = tpu.memref_slice %arg6[%dma_start3A_5] : memref<512xi32, #tpu.memory_space<vmem>> -> memref<128xi32, #tpu.memory_space<vmem>>
    %dma_start3A_7 = arith.constant 0 : i32
    %dma_start3A_8 = arith.constant 0 : i32
    %dma_start3A_9 = tpu.memref_slice %arg2[%dma_start3A_7, %dma_start3A_8] : memref<1024x64xf32, #tpu.memory_space<hbm>> -> memref<1024x64xf32, #tpu.memory_space<hbm>>
    tpu.enqueue_indirect_dma source(%dma_start3A_9 : memref<1024x64xf32, #tpu.memory_space<hbm>>) target(%dma_start3A_4 : memref<128x64xf32, #tpu.memory_space<vmem>>) offsets(%dma_start3A_6 : memref<128xi32, #tpu.memory_space<vmem>>) semaphore(%arg9 : memref<!tpu.dma_semaphore, #tpu.memory_space<semaphore_mem>>)
    %dma_start3A_10 = arith.constant 128 : i32
    %dma_start3A_11 = arith.constant 0 : i32
    %dma_start3A_12 = tpu.memref_slice %arg7[%dma_start3A_10, %dma_start3A_11] : memref<512x64xf32, #tpu.memory_space<vmem>> -> memref<128x64xf32, #tpu.memory_space<vmem>>
    %dma_start3A_13 = arith.constant 128 : i32
    %dma_start3A_14 = tpu.memref_slice %arg6[%dma_start3A_13] : memref<512xi32, #tpu.memory_space<vmem>> -> memref<128xi32, #tpu.memory_space<vmem>>
    %dma_start3A_15 = arith.constant 0 : i32
    %dma_start3A_16 = arith.constant 0 : i32
    %dma_start3A_17 = tpu.memref_slice %arg2[%dma_start3A_15, %dma_start3A_16] : memref<1024x64xf32, #tpu.memory_space<hbm>> -> memref<1024x64xf32, #tpu.memory_space<hbm>>
    tpu.enqueue_indirect_dma source(%dma_start3A_17 : memref<1024x64xf32, #tpu.memory_space<hbm>>) target(%dma_start3A_12 : memref<128x64xf32, #tpu.memory_space<vmem>>) offsets(%dma_start3A_14 : memref<128xi32, #tpu.memory_space<vmem>>) semaphore(%arg9 : memref<!tpu.dma_semaphore, #tpu.memory_space<semaphore_mem>>)
    %dma_start3A_18 = arith.constant 256 : i32
    %dma_start3A_19 = arith.constant 0 : i32
    %dma_start3A_20 = tpu.memref_slice %arg7[%dma_start3A_18, %dma_start3A_19] : memref<512x64xf32, #tpu.memory_space<vmem>> -> memref<128x64xf32, #tpu.memory_space<vmem>>
    %dma_start3A_21 = arith.constant 256 : i32
    %dma_start3A_22 = tpu.memref_slice %arg6[%dma_start3A_21] : memref<512xi32, #tpu.memory_space<vmem>> -> memref<128xi32, #tpu.memory_space<vmem>>
    %dma_start3A_23 = arith.constant 0 : i32
    %dma_start3A_24 = arith.constant 0 : i32
    %dma_start3A_25 = tpu.memref_slice %arg2[%dma_start3A_23, %dma_start3A_24] : memref<1024x64xf32, #tpu.memory_space<hbm>> -> memref<1024x64xf32, #tpu.memory_space<hbm>>
    tpu.enqueue_indirect_dma source(%dma_start3A_25 : memref<1024x64xf32, #tpu.memory_space<hbm>>) target(%dma_start3A_20 : memref<128x64xf32, #tpu.memory_space<vmem>>) offsets(%dma_start3A_22 : memref<128xi32, #tpu.memory_space<vmem>>) semaphore(%arg9 : memref<!tpu.dma_semaphore, #tpu.memory_space<semaphore_mem>>)
    %dma_start3A_26 = arith.constant 384 : i32
    %dma_start3A_27 = arith.constant 0 : i32
    %dma_start3A_28 = tpu.memref_slice %arg7[%dma_start3A_26, %dma_start3A_27] : memref<512x64xf32, #tpu.memory_space<vmem>> -> memref<128x64xf32, #tpu.memory_space<vmem>>
    %dma_start3A_29 = arith.constant 384 : i32
    %dma_start3A_30 = tpu.memref_slice %arg6[%dma_start3A_29] : memref<512xi32, #tpu.memory_space<vmem>> -> memref<128xi32, #tpu.memory_space<vmem>>
    %dma_start3A_31 = arith.constant 0 : i32
    %dma_start3A_32 = arith.constant 0 : i32
    %dma_start3A_33 = tpu.memref_slice %arg2[%dma_start3A_31, %dma_start3A_32] : memref<1024x64xf32, #tpu.memory_space<hbm>> -> memref<1024x64xf32, #tpu.memory_space<hbm>>
    tpu.enqueue_indirect_dma source(%dma_start3A_33 : memref<1024x64xf32, #tpu.memory_space<hbm>>) target(%dma_start3A_28 : memref<128x64xf32, #tpu.memory_space<vmem>>) offsets(%dma_start3A_30 : memref<128xi32, #tpu.memory_space<vmem>>) semaphore(%arg9 : memref<!tpu.dma_semaphore, #tpu.memory_space<semaphore_mem>>)
    %dma_wait3A = arith.constant 0 : i32
    %dma_wait3A_34 = arith.constant 0 : i32
    %dma_wait3A_35 = tpu.memref_slice %arg7[%dma_wait3A, %dma_wait3A_34] : memref<512x64xf32, #tpu.memory_space<vmem>> -> memref<128x64xf32, #tpu.memory_space<vmem>>
    %dma_wait3A_36 = arith.constant 0 : i32
    %dma_wait3A_37 = tpu.memref_slice %arg6[%dma_wait3A_36] : memref<512xi32, #tpu.memory_space<vmem>> -> memref<128xi32, #tpu.memory_space<vmem>>
    %dma_wait3A_38 = arith.constant 0 : i32
    %dma_wait3A_39 = arith.constant 0 : i32
    %dma_wait3A_40 = tpu.memref_slice %arg2[%dma_wait3A_38, %dma_wait3A_39] : memref<1024x64xf32, #tpu.memory_space<hbm>> -> memref<1024x64xf32, #tpu.memory_space<hbm>>
    tpu.wait_indirect_dma semaphore(%arg9 : memref<!tpu.dma_semaphore, #tpu.memory_space<semaphore_mem>>) src(%dma_wait3A_40 : memref<1024x64xf32, #tpu.memory_space<hbm>>) dst(%dma_wait3A_35 : memref<128x64xf32, #tpu.memory_space<vmem>>)
    %dma_wait3A_41 = arith.constant 128 : i32
    %dma_wait3A_42 = arith.constant 0 : i32
    %dma_wait3A_43 = tpu.memref_slice %arg7[%dma_wait3A_41, %dma_wait3A_42] : memref<512x64xf32, #tpu.memory_space<vmem>> -> memref<128x64xf32, #tpu.memory_space<vmem>>
    %dma_wait3A_44 = arith.constant 128 : i32
    %dma_wait3A_45 = tpu.memref_slice %arg6[%dma_wait3A_44] : memref<512xi32, #tpu.memory_space<vmem>> -> memref<128xi32, #tpu.memory_space<vmem>>
    %dma_wait3A_46 = arith.constant 0 : i32
    %dma_wait3A_47 = arith.constant 0 : i32
    %dma_wait3A_48 = tpu.memref_slice %arg2[%dma_wait3A_46, %dma_wait3A_47] : memref<1024x64xf32, #tpu.memory_space<hbm>> -> memref<1024x64xf32, #tpu.memory_space<hbm>>
    tpu.wait_indirect_dma semaphore(%arg9 : memref<!tpu.dma_semaphore, #tpu.memory_space<semaphore_mem>>) src(%dma_wait3A_48 : memref<1024x64xf32, #tpu.memory_space<hbm>>) dst(%dma_wait3A_43 : memref<128x64xf32, #tpu.memory_space<vmem>>)
    %dma_wait3A_49 = arith.constant 256 : i32
    %dma_wait3A_50 = arith.constant 0 : i32
    %dma_wait3A_51 = tpu.memref_slice %arg7[%dma_wait3A_49, %dma_wait3A_50] : memref<512x64xf32, #tpu.memory_space<vmem>> -> memref<128x64xf32, #tpu.memory_space<vmem>>
    %dma_wait3A_52 = arith.constant 256 : i32
    %dma_wait3A_53 = tpu.memref_slice %arg6[%dma_wait3A_52] : memref<512xi32, #tpu.memory_space<vmem>> -> memref<128xi32, #tpu.memory_space<vmem>>
    %dma_wait3A_54 = arith.constant 0 : i32
    %dma_wait3A_55 = arith.constant 0 : i32
    %dma_wait3A_56 = tpu.memref_slice %arg2[%dma_wait3A_54, %dma_wait3A_55] : memref<1024x64xf32, #tpu.memory_space<hbm>> -> memref<1024x64xf32, #tpu.memory_space<hbm>>
    tpu.wait_indirect_dma semaphore(%arg9 : memref<!tpu.dma_semaphore, #tpu.memory_space<semaphore_mem>>) src(%dma_wait3A_56 : memref<1024x64xf32, #tpu.memory_space<hbm>>) dst(%dma_wait3A_51 : memref<128x64xf32, #tpu.memory_space<vmem>>)
    %dma_wait3A_57 = arith.constant 384 : i32
    %dma_wait3A_58 = arith.constant 0 : i32
    %dma_wait3A_59 = tpu.memref_slice %arg7[%dma_wait3A_57, %dma_wait3A_58] : memref<512x64xf32, #tpu.memory_space<vmem>> -> memref<128x64xf32, #tpu.memory_space<vmem>>
    %dma_wait3A_60 = arith.constant 384 : i32
    %dma_wait3A_61 = tpu.memref_slice %arg6[%dma_wait3A_60] : memref<512xi32, #tpu.memory_space<vmem>> -> memref<128xi32, #tpu.memory_space<vmem>>
    %dma_wait3A_62 = arith.constant 0 : i32
    %dma_wait3A_63 = arith.constant 0 : i32
    %dma_wait3A_64 = tpu.memref_slice %arg2[%dma_wait3A_62, %dma_wait3A_63] : memref<1024x64xf32, #tpu.memory_space<hbm>> -> memref<1024x64xf32, #tpu.memory_space<hbm>>
    tpu.wait_indirect_dma semaphore(%arg9 : memref<!tpu.dma_semaphore, #tpu.memory_space<semaphore_mem>>) src(%dma_wait3A_64 : memref<1024x64xf32, #tpu.memory_space<hbm>>) dst(%dma_wait3A_59 : memref<128x64xf32, #tpu.memory_space<vmem>>)
    "tpu.region"() ({
      %run_scoped3A = tpu.sem_alloc : memref<!tpu.dma_semaphore, #tpu.memory_space<semaphore_mem>>
      %dma_start3A_258 = arith.constant 0 : i32
      %dma_start3A_259 = tpu.memref_slice %arg4[%mul3A_2, %dma_start3A_258] : memref<16384x64xf32, #tpu.memory_space<hbm>> -> memref<512x64xf32, #tpu.memory_space<hbm>>
      %dma_start3A_260 = arith.constant 0 : i32
      %dma_start3A_261 = tpu.memref_slice %arg4[%mul3A_2, %dma_start3A_260] : memref<16384x64xf32, #tpu.memory_space<hbm>> -> memref<512x64xf32, #tpu.memory_space<hbm>>
      tpu.enqueue_dma source(%arg7 : memref<512x64xf32, #tpu.memory_space<vmem>>) target(%dma_start3A_261 : memref<512x64xf32, #tpu.memory_space<hbm>>) target_semaphore(%run_scoped3A : memref<!tpu.dma_semaphore, #tpu.memory_space<semaphore_mem>>)
      %dma_wait3A_262 = arith.constant 0 : i32
      %dma_wait3A_263 = tpu.memref_slice %arg4[%mul3A_2, %dma_wait3A_262] : memref<16384x64xf32, #tpu.memory_space<hbm>> -> memref<512x64xf32, #tpu.memory_space<hbm>>
      %dma_wait3A_264 = arith.constant 0 : i32
      %dma_wait3A_265 = tpu.memref_slice %arg4[%mul3A_2, %dma_wait3A_264] : memref<16384x64xf32, #tpu.memory_space<hbm>> -> memref<512x64xf32, #tpu.memory_space<hbm>>
      tpu.wait_dma2 semaphore(%run_scoped3A : memref<!tpu.dma_semaphore, #tpu.memory_space<semaphore_mem>>) src(%arg7 : memref<512x64xf32, #tpu.memory_space<vmem>>) dst(%dma_wait3A_265 : memref<512x64xf32, #tpu.memory_space<hbm>>)
      tpu.yield
    }) : () -> ()
    %broadcast_in_dim3A = arith.constant 0.000000e+00 : f32
    %broadcast_in_dim3A_65 = vector.broadcast %broadcast_in_dim3A : f32 to vector<16xf32>
    %swap3A = arith.constant 0 : index
    %swap3A_66 = tpu.vector_load %arg8[%swap3A] {strides = array<i32>} : memref<1024xf32, #tpu.memory_space<vmem>>, vector<16xf32>,
    tpu.vector_store %arg8[%swap3A], %broadcast_in_dim3A_65 {strides = array<i32>} : memref<1024xf32, #tpu.memory_space<vmem>>, vector<16xf32>,
    %swap3A_67 = arith.constant 16 : index
    %swap3A_68 = tpu.vector_load %arg8[%swap3A_67] {strides = array<i32>} : memref<1024xf32, #tpu.memory_space<vmem>>, vector<16xf32>,
    tpu.vector_store %arg8[%swap3A_67], %broadcast_in_dim3A_65 {strides = array<i32>} : memref<1024xf32, #tpu.memory_space<vmem>>, vector<16xf32>,
    %swap3A_69 = arith.constant 32 : index
    %swap3A_70 = tpu.vector_load %arg8[%swap3A_69] {strides = array<i32>} : memref<1024xf32, #tpu.memory_space<vmem>>, vector<16xf32>,
    tpu.vector_store %arg8[%swap3A_69], %broadcast_in_dim3A_65 {strides = array<i32>} : memref<1024xf32, #tpu.memory_space<vmem>>, vector<16xf32>,
    %swap3A_71 = arith.constant 48 : index
    %swap3A_72 = tpu.vector_load %arg8[%swap3A_71] {strides = array<i32>} : memref<1024xf32, #tpu.memory_space<vmem>>, vector<16xf32>,
    tpu.vector_store %arg8[%swap3A_71], %broadcast_in_dim3A_65 {strides = array<i32>} : memref<1024xf32, #tpu.memory_space<vmem>>, vector<16xf32>,
    %swap3A_73 = arith.constant 64 : index
    %swap3A_74 = tpu.vector_load %arg8[%swap3A_73] {strides = array<i32>} : memref<1024xf32, #tpu.memory_space<vmem>>, vector<16xf32>,
    tpu.vector_store %arg8[%swap3A_73], %broadcast_in_dim3A_65 {strides = array<i32>} : memref<1024xf32, #tpu.memory_space<vmem>>, vector<16xf32>,
    %swap3A_75 = arith.constant 80 : index
    %swap3A_76 = tpu.vector_load %arg8[%swap3A_75] {strides = array<i32>} : memref<1024xf32, #tpu.memory_space<vmem>>, vector<16xf32>,
    tpu.vector_store %arg8[%swap3A_75], %broadcast_in_dim3A_65 {strides = array<i32>} : memref<1024xf32, #tpu.memory_space<vmem>>, vector<16xf32>,
    %swap3A_77 = arith.constant 96 : index
    %swap3A_78 = tpu.vector_load %arg8[%swap3A_77] {strides = array<i32>} : memref<1024xf32, #tpu.memory_space<vmem>>, vector<16xf32>,
    tpu.vector_store %arg8[%swap3A_77], %broadcast_in_dim3A_65 {strides = array<i32>} : memref<1024xf32, #tpu.memory_space<vmem>>, vector<16xf32>,
    %swap3A_79 = arith.constant 112 : index
    %swap3A_80 = tpu.vector_load %arg8[%swap3A_79] {strides = array<i32>} : memref<1024xf32, #tpu.memory_space<vmem>>, vector<16xf32>,
    tpu.vector_store %arg8[%swap3A_79], %broadcast_in_dim3A_65 {strides = array<i32>} : memref<1024xf32, #tpu.memory_space<vmem>>, vector<16xf32>,
    %swap3A_81 = arith.constant 128 : index
    %swap3A_82 = tpu.vector_load %arg8[%swap3A_81] {strides = array<i32>} : memref<1024xf32, #tpu.memory_space<vmem>>, vector<16xf32>,
    tpu.vector_store %arg8[%swap3A_81], %broadcast_in_dim3A_65 {strides = array<i32>} : memref<1024xf32, #tpu.memory_space<vmem>>, vector<16xf32>,
    %swap3A_83 = arith.constant 144 : index
    %swap3A_84 = tpu.vector_load %arg8[%swap3A_83] {strides = array<i32>} : memref<1024xf32, #tpu.memory_space<vmem>>, vector<16xf32>,
    tpu.vector_store %arg8[%swap3A_83], %broadcast_in_dim3A_65 {strides = array<i32>} : memref<1024xf32, #tpu.memory_space<vmem>>, vector<16xf32>,
    %swap3A_85 = arith.constant 160 : index
    %swap3A_86 = tpu.vector_load %arg8[%swap3A_85] {strides = array<i32>} : memref<1024xf32, #tpu.memory_space<vmem>>, vector<16xf32>,
    tpu.vector_store %arg8[%swap3A_85], %broadcast_in_dim3A_65 {strides = array<i32>} : memref<1024xf32, #tpu.memory_space<vmem>>, vector<16xf32>,
    %swap3A_87 = arith.constant 176 : index
    %swap3A_88 = tpu.vector_load %arg8[%swap3A_87] {strides = array<i32>} : memref<1024xf32, #tpu.memory_space<vmem>>, vector<16xf32>,
    tpu.vector_store %arg8[%swap3A_87], %broadcast_in_dim3A_65 {strides = array<i32>} : memref<1024xf32, #tpu.memory_space<vmem>>, vector<16xf32>,
    %swap3A_89 = arith.constant 192 : index
    %swap3A_90 = tpu.vector_load %arg8[%swap3A_89] {strides = array<i32>} : memref<1024xf32, #tpu.memory_space<vmem>>, vector<16xf32>,
    tpu.vector_store %arg8[%swap3A_89], %broadcast_in_dim3A_65 {strides = array<i32>} : memref<1024xf32, #tpu.memory_space<vmem>>, vector<16xf32>,
    %swap3A_91 = arith.constant 208 : index
    %swap3A_92 = tpu.vector_load %arg8[%swap3A_91] {strides = array<i32>} : memref<1024xf32, #tpu.memory_space<vmem>>, vector<16xf32>,
    tpu.vector_store %arg8[%swap3A_91], %broadcast_in_dim3A_65 {strides = array<i32>} : memref<1024xf32, #tpu.memory_space<vmem>>, vector<16xf32>,
    %swap3A_93 = arith.constant 224 : index
    %swap3A_94 = tpu.vector_load %arg8[%swap3A_93] {strides = array<i32>} : memref<1024xf32, #tpu.memory_space<vmem>>, vector<16xf32>,
    tpu.vector_store %arg8[%swap3A_93], %broadcast_in_dim3A_65 {strides = array<i32>} : memref<1024xf32, #tpu.memory_space<vmem>>, vector<16xf32>,
    %swap3A_95 = arith.constant 240 : index
    %swap3A_96 = tpu.vector_load %arg8[%swap3A_95] {strides = array<i32>} : memref<1024xf32, #tpu.memory_space<vmem>>, vector<16xf32>,
    tpu.vector_store %arg8[%swap3A_95], %broadcast_in_dim3A_65 {strides = array<i32>} : memref<1024xf32, #tpu.memory_space<vmem>>, vector<16xf32>,
    %swap3A_97 = arith.constant 256 : index
    %swap3A_98 = tpu.vector_load %arg8[%swap3A_97] {strides = array<i32>} : memref<1024xf32, #tpu.memory_space<vmem>>, vector<16xf32>,
    tpu.vector_store %arg8[%swap3A_97], %broadcast_in_dim3A_65 {strides = array<i32>} : memref<1024xf32, #tpu.memory_space<vmem>>, vector<16xf32>,
    %swap3A_99 = arith.constant 272 : index
    %swap3A_100 = tpu.vector_load %arg8[%swap3A_99] {strides = array<i32>} : memref<1024xf32, #tpu.memory_space<vmem>>, vector<16xf32>,
    tpu.vector_store %arg8[%swap3A_99], %broadcast_in_dim3A_65 {strides = array<i32>} : memref<1024xf32, #tpu.memory_space<vmem>>, vector<16xf32>,
    %swap3A_101 = arith.constant 288 : index
    %swap3A_102 = tpu.vector_load %arg8[%swap3A_101] {strides = array<i32>} : memref<1024xf32, #tpu.memory_space<vmem>>, vector<16xf32>,
    tpu.vector_store %arg8[%swap3A_101], %broadcast_in_dim3A_65 {strides = array<i32>} : memref<1024xf32, #tpu.memory_space<vmem>>, vector<16xf32>,
    %swap3A_103 = arith.constant 304 : index
    %swap3A_104 = tpu.vector_load %arg8[%swap3A_103] {strides = array<i32>} : memref<1024xf32, #tpu.memory_space<vmem>>, vector<16xf32>,
    tpu.vector_store %arg8[%swap3A_103], %broadcast_in_dim3A_65 {strides = array<i32>} : memref<1024xf32, #tpu.memory_space<vmem>>, vector<16xf32>,
    %swap3A_105 = arith.constant 320 : index
    %swap3A_106 = tpu.vector_load %arg8[%swap3A_105] {strides = array<i32>} : memref<1024xf32, #tpu.memory_space<vmem>>, vector<16xf32>,
    tpu.vector_store %arg8[%swap3A_105], %broadcast_in_dim3A_65 {strides = array<i32>} : memref<1024xf32, #tpu.memory_space<vmem>>, vector<16xf32>,
    %swap3A_107 = arith.constant 336 : index
    %swap3A_108 = tpu.vector_load %arg8[%swap3A_107] {strides = array<i32>} : memref<1024xf32, #tpu.memory_space<vmem>>, vector<16xf32>,
    tpu.vector_store %arg8[%swap3A_107], %broadcast_in_dim3A_65 {strides = array<i32>} : memref<1024xf32, #tpu.memory_space<vmem>>, vector<16xf32>,
    %swap3A_109 = arith.constant 352 : index
    %swap3A_110 = tpu.vector_load %arg8[%swap3A_109] {strides = array<i32>} : memref<1024xf32, #tpu.memory_space<vmem>>, vector<16xf32>,
    tpu.vector_store %arg8[%swap3A_109], %broadcast_in_dim3A_65 {strides = array<i32>} : memref<1024xf32, #tpu.memory_space<vmem>>, vector<16xf32>,
    %swap3A_111 = arith.constant 368 : index
    %swap3A_112 = tpu.vector_load %arg8[%swap3A_111] {strides = array<i32>} : memref<1024xf32, #tpu.memory_space<vmem>>, vector<16xf32>,
    tpu.vector_store %arg8[%swap3A_111], %broadcast_in_dim3A_65 {strides = array<i32>} : memref<1024xf32, #tpu.memory_space<vmem>>, vector<16xf32>,
    %swap3A_113 = arith.constant 384 : index
    %swap3A_114 = tpu.vector_load %arg8[%swap3A_113] {strides = array<i32>} : memref<1024xf32, #tpu.memory_space<vmem>>, vector<16xf32>,
    tpu.vector_store %arg8[%swap3A_113], %broadcast_in_dim3A_65 {strides = array<i32>} : memref<1024xf32, #tpu.memory_space<vmem>>, vector<16xf32>,
    %swap3A_115 = arith.constant 400 : index
    %swap3A_116 = tpu.vector_load %arg8[%swap3A_115] {strides = array<i32>} : memref<1024xf32, #tpu.memory_space<vmem>>, vector<16xf32>,
    tpu.vector_store %arg8[%swap3A_115], %broadcast_in_dim3A_65 {strides = array<i32>} : memref<1024xf32, #tpu.memory_space<vmem>>, vector<16xf32>,
    %swap3A_117 = arith.constant 416 : index
    %swap3A_118 = tpu.vector_load %arg8[%swap3A_117] {strides = array<i32>} : memref<1024xf32, #tpu.memory_space<vmem>>, vector<16xf32>,
    tpu.vector_store %arg8[%swap3A_117], %broadcast_in_dim3A_65 {strides = array<i32>} : memref<1024xf32, #tpu.memory_space<vmem>>, vector<16xf32>,
    %swap3A_119 = arith.constant 432 : index
    %swap3A_120 = tpu.vector_load %arg8[%swap3A_119] {strides = array<i32>} : memref<1024xf32, #tpu.memory_space<vmem>>, vector<16xf32>,
    tpu.vector_store %arg8[%swap3A_119], %broadcast_in_dim3A_65 {strides = array<i32>} : memref<1024xf32, #tpu.memory_space<vmem>>, vector<16xf32>,
    %swap3A_121 = arith.constant 448 : index
    %swap3A_122 = tpu.vector_load %arg8[%swap3A_121] {strides = array<i32>} : memref<1024xf32, #tpu.memory_space<vmem>>, vector<16xf32>,
    tpu.vector_store %arg8[%swap3A_121], %broadcast_in_dim3A_65 {strides = array<i32>} : memref<1024xf32, #tpu.memory_space<vmem>>, vector<16xf32>,
    %swap3A_123 = arith.constant 464 : index
    %swap3A_124 = tpu.vector_load %arg8[%swap3A_123] {strides = array<i32>} : memref<1024xf32, #tpu.memory_space<vmem>>, vector<16xf32>,
    tpu.vector_store %arg8[%swap3A_123], %broadcast_in_dim3A_65 {strides = array<i32>} : memref<1024xf32, #tpu.memory_space<vmem>>, vector<16xf32>,
    %swap3A_125 = arith.constant 480 : index
    %swap3A_126 = tpu.vector_load %arg8[%swap3A_125] {strides = array<i32>} : memref<1024xf32, #tpu.memory_space<vmem>>, vector<16xf32>,
    tpu.vector_store %arg8[%swap3A_125], %broadcast_in_dim3A_65 {strides = array<i32>} : memref<1024xf32, #tpu.memory_space<vmem>>, vector<16xf32>,
    %swap3A_127 = arith.constant 496 : index
    %swap3A_128 = tpu.vector_load %arg8[%swap3A_127] {strides = array<i32>} : memref<1024xf32, #tpu.memory_space<vmem>>, vector<16xf32>,
    tpu.vector_store %arg8[%swap3A_127], %broadcast_in_dim3A_65 {strides = array<i32>} : memref<1024xf32, #tpu.memory_space<vmem>>, vector<16xf32>,
    %swap3A_129 = arith.constant 512 : index
    %swap3A_130 = tpu.vector_load %arg8[%swap3A_129] {strides = array<i32>} : memref<1024xf32, #tpu.memory_space<vmem>>, vector<16xf32>,
    tpu.vector_store %arg8[%swap3A_129], %broadcast_in_dim3A_65 {strides = array<i32>} : memref<1024xf32, #tpu.memory_space<vmem>>, vector<16xf32>,
    %swap3A_131 = arith.constant 528 : index
    %swap3A_132 = tpu.vector_load %arg8[%swap3A_131] {strides = array<i32>} : memref<1024xf32, #tpu.memory_space<vmem>>, vector<16xf32>,
    tpu.vector_store %arg8[%swap3A_131], %broadcast_in_dim3A_65 {strides = array<i32>} : memref<1024xf32, #tpu.memory_space<vmem>>, vector<16xf32>,
    %swap3A_133 = arith.constant 544 : index
    %swap3A_134 = tpu.vector_load %arg8[%swap3A_133] {strides = array<i32>} : memref<1024xf32, #tpu.memory_space<vmem>>, vector<16xf32>,
    tpu.vector_store %arg8[%swap3A_133], %broadcast_in_dim3A_65 {strides = array<i32>} : memref<1024xf32, #tpu.memory_space<vmem>>, vector<16xf32>,
    %swap3A_135 = arith.constant 560 : index
    %swap3A_136 = tpu.vector_load %arg8[%swap3A_135] {strides = array<i32>} : memref<1024xf32, #tpu.memory_space<vmem>>, vector<16xf32>,
    tpu.vector_store %arg8[%swap3A_135], %broadcast_in_dim3A_65 {strides = array<i32>} : memref<1024xf32, #tpu.memory_space<vmem>>, vector<16xf32>,
    %swap3A_137 = arith.constant 576 : index
    %swap3A_138 = tpu.vector_load %arg8[%swap3A_137] {strides = array<i32>} : memref<1024xf32, #tpu.memory_space<vmem>>, vector<16xf32>,
    tpu.vector_store %arg8[%swap3A_137], %broadcast_in_dim3A_65 {strides = array<i32>} : memref<1024xf32, #tpu.memory_space<vmem>>, vector<16xf32>,
    %swap3A_139 = arith.constant 592 : index
    %swap3A_140 = tpu.vector_load %arg8[%swap3A_139] {strides = array<i32>} : memref<1024xf32, #tpu.memory_space<vmem>>, vector<16xf32>,
    tpu.vector_store %arg8[%swap3A_139], %broadcast_in_dim3A_65 {strides = array<i32>} : memref<1024xf32, #tpu.memory_space<vmem>>, vector<16xf32>,
    %swap3A_141 = arith.constant 608 : index
    %swap3A_142 = tpu.vector_load %arg8[%swap3A_141] {strides = array<i32>} : memref<1024xf32, #tpu.memory_space<vmem>>, vector<16xf32>,
    tpu.vector_store %arg8[%swap3A_141], %broadcast_in_dim3A_65 {strides = array<i32>} : memref<1024xf32, #tpu.memory_space<vmem>>, vector<16xf32>,
    %swap3A_143 = arith.constant 624 : index
    %swap3A_144 = tpu.vector_load %arg8[%swap3A_143] {strides = array<i32>} : memref<1024xf32, #tpu.memory_space<vmem>>, vector<16xf32>,
    tpu.vector_store %arg8[%swap3A_143], %broadcast_in_dim3A_65 {strides = array<i32>} : memref<1024xf32, #tpu.memory_space<vmem>>, vector<16xf32>,
    %swap3A_145 = arith.constant 640 : index
    %swap3A_146 = tpu.vector_load %arg8[%swap3A_145] {strides = array<i32>} : memref<1024xf32, #tpu.memory_space<vmem>>, vector<16xf32>,
    tpu.vector_store %arg8[%swap3A_145], %broadcast_in_dim3A_65 {strides = array<i32>} : memref<1024xf32, #tpu.memory_space<vmem>>, vector<16xf32>,
    %swap3A_147 = arith.constant 656 : index
    %swap3A_148 = tpu.vector_load %arg8[%swap3A_147] {strides = array<i32>} : memref<1024xf32, #tpu.memory_space<vmem>>, vector<16xf32>,
    tpu.vector_store %arg8[%swap3A_147], %broadcast_in_dim3A_65 {strides = array<i32>} : memref<1024xf32, #tpu.memory_space<vmem>>, vector<16xf32>,
    %swap3A_149 = arith.constant 672 : index
    %swap3A_150 = tpu.vector_load %arg8[%swap3A_149] {strides = array<i32>} : memref<1024xf32, #tpu.memory_space<vmem>>, vector<16xf32>,
    tpu.vector_store %arg8[%swap3A_149], %broadcast_in_dim3A_65 {strides = array<i32>} : memref<1024xf32, #tpu.memory_space<vmem>>, vector<16xf32>,
    %swap3A_151 = arith.constant 688 : index
    %swap3A_152 = tpu.vector_load %arg8[%swap3A_151] {strides = array<i32>} : memref<1024xf32, #tpu.memory_space<vmem>>, vector<16xf32>,
    tpu.vector_store %arg8[%swap3A_151], %broadcast_in_dim3A_65 {strides = array<i32>} : memref<1024xf32, #tpu.memory_space<vmem>>, vector<16xf32>,
    %swap3A_153 = arith.constant 704 : index
    %swap3A_154 = tpu.vector_load %arg8[%swap3A_153] {strides = array<i32>} : memref<1024xf32, #tpu.memory_space<vmem>>, vector<16xf32>,
    tpu.vector_store %arg8[%swap3A_153], %broadcast_in_dim3A_65 {strides = array<i32>} : memref<1024xf32, #tpu.memory_space<vmem>>, vector<16xf32>,
    %swap3A_155 = arith.constant 720 : index
    %swap3A_156 = tpu.vector_load %arg8[%swap3A_155] {strides = array<i32>} : memref<1024xf32, #tpu.memory_space<vmem>>, vector<16xf32>,
    tpu.vector_store %arg8[%swap3A_155], %broadcast_in_dim3A_65 {strides = array<i32>} : memref<1024xf32, #tpu.memory_space<vmem>>, vector<16xf32>,
    %swap3A_157 = arith.constant 736 : index
    %swap3A_158 = tpu.vector_load %arg8[%swap3A_157] {strides = array<i32>} : memref<1024xf32, #tpu.memory_space<vmem>>, vector<16xf32>,
    tpu.vector_store %arg8[%swap3A_157], %broadcast_in_dim3A_65 {strides = array<i32>} : memref<1024xf32, #tpu.memory_space<vmem>>, vector<16xf32>,
    %swap3A_159 = arith.constant 752 : index
    %swap3A_160 = tpu.vector_load %arg8[%swap3A_159] {strides = array<i32>} : memref<1024xf32, #tpu.memory_space<vmem>>, vector<16xf32>,
    tpu.vector_store %arg8[%swap3A_159], %broadcast_in_dim3A_65 {strides = array<i32>} : memref<1024xf32, #tpu.memory_space<vmem>>, vector<16xf32>,
    %swap3A_161 = arith.constant 768 : index
    %swap3A_162 = tpu.vector_load %arg8[%swap3A_161] {strides = array<i32>} : memref<1024xf32, #tpu.memory_space<vmem>>, vector<16xf32>,
    tpu.vector_store %arg8[%swap3A_161], %broadcast_in_dim3A_65 {strides = array<i32>} : memref<1024xf32, #tpu.memory_space<vmem>>, vector<16xf32>,
    %swap3A_163 = arith.constant 784 : index
    %swap3A_164 = tpu.vector_load %arg8[%swap3A_163] {strides = array<i32>} : memref<1024xf32, #tpu.memory_space<vmem>>, vector<16xf32>,
    tpu.vector_store %arg8[%swap3A_163], %broadcast_in_dim3A_65 {strides = array<i32>} : memref<1024xf32, #tpu.memory_space<vmem>>, vector<16xf32>,
    %swap3A_165 = arith.constant 800 : index
    %swap3A_166 = tpu.vector_load %arg8[%swap3A_165] {strides = array<i32>} : memref<1024xf32, #tpu.memory_space<vmem>>, vector<16xf32>,
    tpu.vector_store %arg8[%swap3A_165], %broadcast_in_dim3A_65 {strides = array<i32>} : memref<1024xf32, #tpu.memory_space<vmem>>, vector<16xf32>,
    %swap3A_167 = arith.constant 816 : index
    %swap3A_168 = tpu.vector_load %arg8[%swap3A_167] {strides = array<i32>} : memref<1024xf32, #tpu.memory_space<vmem>>, vector<16xf32>,
    tpu.vector_store %arg8[%swap3A_167], %broadcast_in_dim3A_65 {strides = array<i32>} : memref<1024xf32, #tpu.memory_space<vmem>>, vector<16xf32>,
    %swap3A_169 = arith.constant 832 : index
    %swap3A_170 = tpu.vector_load %arg8[%swap3A_169] {strides = array<i32>} : memref<1024xf32, #tpu.memory_space<vmem>>, vector<16xf32>,
    tpu.vector_store %arg8[%swap3A_169], %broadcast_in_dim3A_65 {strides = array<i32>} : memref<1024xf32, #tpu.memory_space<vmem>>, vector<16xf32>,
    %swap3A_171 = arith.constant 848 : index
    %swap3A_172 = tpu.vector_load %arg8[%swap3A_171] {strides = array<i32>} : memref<1024xf32, #tpu.memory_space<vmem>>, vector<16xf32>,
    tpu.vector_store %arg8[%swap3A_171], %broadcast_in_dim3A_65 {strides = array<i32>} : memref<1024xf32, #tpu.memory_space<vmem>>, vector<16xf32>,
    %swap3A_173 = arith.constant 864 : index
    %swap3A_174 = tpu.vector_load %arg8[%swap3A_173] {strides = array<i32>} : memref<1024xf32, #tpu.memory_space<vmem>>, vector<16xf32>,
    tpu.vector_store %arg8[%swap3A_173], %broadcast_in_dim3A_65 {strides = array<i32>} : memref<1024xf32, #tpu.memory_space<vmem>>, vector<16xf32>,
    %swap3A_175 = arith.constant 880 : index
    %swap3A_176 = tpu.vector_load %arg8[%swap3A_175] {strides = array<i32>} : memref<1024xf32, #tpu.memory_space<vmem>>, vector<16xf32>,
    tpu.vector_store %arg8[%swap3A_175], %broadcast_in_dim3A_65 {strides = array<i32>} : memref<1024xf32, #tpu.memory_space<vmem>>, vector<16xf32>,
    %swap3A_177 = arith.constant 896 : index
    %swap3A_178 = tpu.vector_load %arg8[%swap3A_177] {strides = array<i32>} : memref<1024xf32, #tpu.memory_space<vmem>>, vector<16xf32>,
    tpu.vector_store %arg8[%swap3A_177], %broadcast_in_dim3A_65 {strides = array<i32>} : memref<1024xf32, #tpu.memory_space<vmem>>, vector<16xf32>,
    %swap3A_179 = arith.constant 912 : index
    %swap3A_180 = tpu.vector_load %arg8[%swap3A_179] {strides = array<i32>} : memref<1024xf32, #tpu.memory_space<vmem>>, vector<16xf32>,
    tpu.vector_store %arg8[%swap3A_179], %broadcast_in_dim3A_65 {strides = array<i32>} : memref<1024xf32, #tpu.memory_space<vmem>>, vector<16xf32>,
    %swap3A_181 = arith.constant 928 : index
    %swap3A_182 = tpu.vector_load %arg8[%swap3A_181] {strides = array<i32>} : memref<1024xf32, #tpu.memory_space<vmem>>, vector<16xf32>,
    tpu.vector_store %arg8[%swap3A_181], %broadcast_in_dim3A_65 {strides = array<i32>} : memref<1024xf32, #tpu.memory_space<vmem>>, vector<16xf32>,
    %swap3A_183 = arith.constant 944 : index
    %swap3A_184 = tpu.vector_load %arg8[%swap3A_183] {strides = array<i32>} : memref<1024xf32, #tpu.memory_space<vmem>>, vector<16xf32>,
    tpu.vector_store %arg8[%swap3A_183], %broadcast_in_dim3A_65 {strides = array<i32>} : memref<1024xf32, #tpu.memory_space<vmem>>, vector<16xf32>,
    %swap3A_185 = arith.constant 960 : index
    %swap3A_186 = tpu.vector_load %arg8[%swap3A_185] {strides = array<i32>} : memref<1024xf32, #tpu.memory_space<vmem>>, vector<16xf32>,
    tpu.vector_store %arg8[%swap3A_185], %broadcast_in_dim3A_65 {strides = array<i32>} : memref<1024xf32, #tpu.memory_space<vmem>>, vector<16xf32>,
    %swap3A_187 = arith.constant 976 : index
    %swap3A_188 = tpu.vector_load %arg8[%swap3A_187] {strides = array<i32>} : memref<1024xf32, #tpu.memory_space<vmem>>, vector<16xf32>,
    tpu.vector_store %arg8[%swap3A_187], %broadcast_in_dim3A_65 {strides = array<i32>} : memref<1024xf32, #tpu.memory_space<vmem>>, vector<16xf32>,
    %swap3A_189 = arith.constant 992 : index
    %swap3A_190 = tpu.vector_load %arg8[%swap3A_189] {strides = array<i32>} : memref<1024xf32, #tpu.memory_space<vmem>>, vector<16xf32>,
    tpu.vector_store %arg8[%swap3A_189], %broadcast_in_dim3A_65 {strides = array<i32>} : memref<1024xf32, #tpu.memory_space<vmem>>, vector<16xf32>,
    %swap3A_191 = arith.constant 1008 : index
    %swap3A_192 = tpu.vector_load %arg8[%swap3A_191] {strides = array<i32>} : memref<1024xf32, #tpu.memory_space<vmem>>, vector<16xf32>,
    tpu.vector_store %arg8[%swap3A_191], %broadcast_in_dim3A_65 {strides = array<i32>} : memref<1024xf32, #tpu.memory_space<vmem>>, vector<16xf32>,
    %broadcast_in_dim3A_193 = arith.constant 1.000000e+00 : f32
    %broadcast_in_dim3A_194 = vector.broadcast %broadcast_in_dim3A_193 : f32 to vector<16xf32>
    %get3A = arith.constant 0 : index
    %get3A_195 = tpu.vector_load %arg6[%get3A] {strides = array<i32>} : memref<512xi32, #tpu.memory_space<vmem>>, vector<16xi32>,
    tpu.vector_store_idx %arg8[%get3A_195], %broadcast_in_dim3A_194 {add = true} : memref<1024xf32, #tpu.memory_space<vmem>>[vector<16xi32>], vector<16xf32>,
    %get3A_196 = arith.constant 16 : index
    %get3A_197 = tpu.vector_load %arg6[%get3A_196] {strides = array<i32>} : memref<512xi32, #tpu.memory_space<vmem>>, vector<16xi32>,
    tpu.vector_store_idx %arg8[%get3A_197], %broadcast_in_dim3A_194 {add = true} : memref<1024xf32, #tpu.memory_space<vmem>>[vector<16xi32>], vector<16xf32>,
    %get3A_198 = arith.constant 32 : index
    %get3A_199 = tpu.vector_load %arg6[%get3A_198] {strides = array<i32>} : memref<512xi32, #tpu.memory_space<vmem>>, vector<16xi32>,
    tpu.vector_store_idx %arg8[%get3A_199], %broadcast_in_dim3A_194 {add = true} : memref<1024xf32, #tpu.memory_space<vmem>>[vector<16xi32>], vector<16xf32>,
    %get3A_200 = arith.constant 48 : index
    %get3A_201 = tpu.vector_load %arg6[%get3A_200] {strides = array<i32>} : memref<512xi32, #tpu.memory_space<vmem>>, vector<16xi32>,
    tpu.vector_store_idx %arg8[%get3A_201], %broadcast_in_dim3A_194 {add = true} : memref<1024xf32, #tpu.memory_space<vmem>>[vector<16xi32>], vector<16xf32>,
    %get3A_202 = arith.constant 64 : index
    %get3A_203 = tpu.vector_load %arg6[%get3A_202] {strides = array<i32>} : memref<512xi32, #tpu.memory_space<vmem>>, vector<16xi32>,
    tpu.vector_store_idx %arg8[%get3A_203], %broadcast_in_dim3A_194 {add = true} : memref<1024xf32, #tpu.memory_space<vmem>>[vector<16xi32>], vector<16xf32>,
    %get3A_204 = arith.constant 80 : index
    %get3A_205 = tpu.vector_load %arg6[%get3A_204] {strides = array<i32>} : memref<512xi32, #tpu.memory_space<vmem>>, vector<16xi32>,
    tpu.vector_store_idx %arg8[%get3A_205], %broadcast_in_dim3A_194 {add = true} : memref<1024xf32, #tpu.memory_space<vmem>>[vector<16xi32>], vector<16xf32>,
    %get3A_206 = arith.constant 96 : index
    %get3A_207 = tpu.vector_load %arg6[%get3A_206] {strides = array<i32>} : memref<512xi32, #tpu.memory_space<vmem>>, vector<16xi32>,
    tpu.vector_store_idx %arg8[%get3A_207], %broadcast_in_dim3A_194 {add = true} : memref<1024xf32, #tpu.memory_space<vmem>>[vector<16xi32>], vector<16xf32>,
    %get3A_208 = arith.constant 112 : index
    %get3A_209 = tpu.vector_load %arg6[%get3A_208] {strides = array<i32>} : memref<512xi32, #tpu.memory_space<vmem>>, vector<16xi32>,
    tpu.vector_store_idx %arg8[%get3A_209], %broadcast_in_dim3A_194 {add = true} : memref<1024xf32, #tpu.memory_space<vmem>>[vector<16xi32>], vector<16xf32>,
    %get3A_210 = arith.constant 128 : index
    %get3A_211 = tpu.vector_load %arg6[%get3A_210] {strides = array<i32>} : memref<512xi32, #tpu.memory_space<vmem>>, vector<16xi32>,
    tpu.vector_store_idx %arg8[%get3A_211], %broadcast_in_dim3A_194 {add = true} : memref<1024xf32, #tpu.memory_space<vmem>>[vector<16xi32>], vector<16xf32>,
    %get3A_212 = arith.constant 144 : index
    %get3A_213 = tpu.vector_load %arg6[%get3A_212] {strides = array<i32>} : memref<512xi32, #tpu.memory_space<vmem>>, vector<16xi32>,
    tpu.vector_store_idx %arg8[%get3A_213], %broadcast_in_dim3A_194 {add = true} : memref<1024xf32, #tpu.memory_space<vmem>>[vector<16xi32>], vector<16xf32>,
    %get3A_214 = arith.constant 160 : index
    %get3A_215 = tpu.vector_load %arg6[%get3A_214] {strides = array<i32>} : memref<512xi32, #tpu.memory_space<vmem>>, vector<16xi32>,
    tpu.vector_store_idx %arg8[%get3A_215], %broadcast_in_dim3A_194 {add = true} : memref<1024xf32, #tpu.memory_space<vmem>>[vector<16xi32>], vector<16xf32>,
    %get3A_216 = arith.constant 176 : index
    %get3A_217 = tpu.vector_load %arg6[%get3A_216] {strides = array<i32>} : memref<512xi32, #tpu.memory_space<vmem>>, vector<16xi32>,
    tpu.vector_store_idx %arg8[%get3A_217], %broadcast_in_dim3A_194 {add = true} : memref<1024xf32, #tpu.memory_space<vmem>>[vector<16xi32>], vector<16xf32>,
    %get3A_218 = arith.constant 192 : index
    %get3A_219 = tpu.vector_load %arg6[%get3A_218] {strides = array<i32>} : memref<512xi32, #tpu.memory_space<vmem>>, vector<16xi32>,
    tpu.vector_store_idx %arg8[%get3A_219], %broadcast_in_dim3A_194 {add = true} : memref<1024xf32, #tpu.memory_space<vmem>>[vector<16xi32>], vector<16xf32>,
    %get3A_220 = arith.constant 208 : index
    %get3A_221 = tpu.vector_load %arg6[%get3A_220] {strides = array<i32>} : memref<512xi32, #tpu.memory_space<vmem>>, vector<16xi32>,
    tpu.vector_store_idx %arg8[%get3A_221], %broadcast_in_dim3A_194 {add = true} : memref<1024xf32, #tpu.memory_space<vmem>>[vector<16xi32>], vector<16xf32>,
    %get3A_222 = arith.constant 224 : index
    %get3A_223 = tpu.vector_load %arg6[%get3A_222] {strides = array<i32>} : memref<512xi32, #tpu.memory_space<vmem>>, vector<16xi32>,
    tpu.vector_store_idx %arg8[%get3A_223], %broadcast_in_dim3A_194 {add = true} : memref<1024xf32, #tpu.memory_space<vmem>>[vector<16xi32>], vector<16xf32>,
    %get3A_224 = arith.constant 240 : index
    %get3A_225 = tpu.vector_load %arg6[%get3A_224] {strides = array<i32>} : memref<512xi32, #tpu.memory_space<vmem>>, vector<16xi32>,
    tpu.vector_store_idx %arg8[%get3A_225], %broadcast_in_dim3A_194 {add = true} : memref<1024xf32, #tpu.memory_space<vmem>>[vector<16xi32>], vector<16xf32>,
    %get3A_226 = arith.constant 256 : index
    %get3A_227 = tpu.vector_load %arg6[%get3A_226] {strides = array<i32>} : memref<512xi32, #tpu.memory_space<vmem>>, vector<16xi32>,
    tpu.vector_store_idx %arg8[%get3A_227], %broadcast_in_dim3A_194 {add = true} : memref<1024xf32, #tpu.memory_space<vmem>>[vector<16xi32>], vector<16xf32>,
    %get3A_228 = arith.constant 272 : index
    %get3A_229 = tpu.vector_load %arg6[%get3A_228] {strides = array<i32>} : memref<512xi32, #tpu.memory_space<vmem>>, vector<16xi32>,
    tpu.vector_store_idx %arg8[%get3A_229], %broadcast_in_dim3A_194 {add = true} : memref<1024xf32, #tpu.memory_space<vmem>>[vector<16xi32>], vector<16xf32>,
    %get3A_230 = arith.constant 288 : index
    %get3A_231 = tpu.vector_load %arg6[%get3A_230] {strides = array<i32>} : memref<512xi32, #tpu.memory_space<vmem>>, vector<16xi32>,
    tpu.vector_store_idx %arg8[%get3A_231], %broadcast_in_dim3A_194 {add = true} : memref<1024xf32, #tpu.memory_space<vmem>>[vector<16xi32>], vector<16xf32>,
    %get3A_232 = arith.constant 304 : index
    %get3A_233 = tpu.vector_load %arg6[%get3A_232] {strides = array<i32>} : memref<512xi32, #tpu.memory_space<vmem>>, vector<16xi32>,
    tpu.vector_store_idx %arg8[%get3A_233], %broadcast_in_dim3A_194 {add = true} : memref<1024xf32, #tpu.memory_space<vmem>>[vector<16xi32>], vector<16xf32>,
    %get3A_234 = arith.constant 320 : index
    %get3A_235 = tpu.vector_load %arg6[%get3A_234] {strides = array<i32>} : memref<512xi32, #tpu.memory_space<vmem>>, vector<16xi32>,
    tpu.vector_store_idx %arg8[%get3A_235], %broadcast_in_dim3A_194 {add = true} : memref<1024xf32, #tpu.memory_space<vmem>>[vector<16xi32>], vector<16xf32>,
    %get3A_236 = arith.constant 336 : index
    %get3A_237 = tpu.vector_load %arg6[%get3A_236] {strides = array<i32>} : memref<512xi32, #tpu.memory_space<vmem>>, vector<16xi32>,
    tpu.vector_store_idx %arg8[%get3A_237], %broadcast_in_dim3A_194 {add = true} : memref<1024xf32, #tpu.memory_space<vmem>>[vector<16xi32>], vector<16xf32>,
    %get3A_238 = arith.constant 352 : index
    %get3A_239 = tpu.vector_load %arg6[%get3A_238] {strides = array<i32>} : memref<512xi32, #tpu.memory_space<vmem>>, vector<16xi32>,
    tpu.vector_store_idx %arg8[%get3A_239], %broadcast_in_dim3A_194 {add = true} : memref<1024xf32, #tpu.memory_space<vmem>>[vector<16xi32>], vector<16xf32>,
    %get3A_240 = arith.constant 368 : index
    %get3A_241 = tpu.vector_load %arg6[%get3A_240] {strides = array<i32>} : memref<512xi32, #tpu.memory_space<vmem>>, vector<16xi32>,
    tpu.vector_store_idx %arg8[%get3A_241], %broadcast_in_dim3A_194 {add = true} : memref<1024xf32, #tpu.memory_space<vmem>>[vector<16xi32>], vector<16xf32>,
    %get3A_242 = arith.constant 384 : index
    %get3A_243 = tpu.vector_load %arg6[%get3A_242] {strides = array<i32>} : memref<512xi32, #tpu.memory_space<vmem>>, vector<16xi32>,
    tpu.vector_store_idx %arg8[%get3A_243], %broadcast_in_dim3A_194 {add = true} : memref<1024xf32, #tpu.memory_space<vmem>>[vector<16xi32>], vector<16xf32>,
    %get3A_244 = arith.constant 400 : index
    %get3A_245 = tpu.vector_load %arg6[%get3A_244] {strides = array<i32>} : memref<512xi32, #tpu.memory_space<vmem>>, vector<16xi32>,
    tpu.vector_store_idx %arg8[%get3A_245], %broadcast_in_dim3A_194 {add = true} : memref<1024xf32, #tpu.memory_space<vmem>>[vector<16xi32>], vector<16xf32>,
    %get3A_246 = arith.constant 416 : index
    %get3A_247 = tpu.vector_load %arg6[%get3A_246] {strides = array<i32>} : memref<512xi32, #tpu.memory_space<vmem>>, vector<16xi32>,
    tpu.vector_store_idx %arg8[%get3A_247], %broadcast_in_dim3A_194 {add = true} : memref<1024xf32, #tpu.memory_space<vmem>>[vector<16xi32>], vector<16xf32>,
    %get3A_248 = arith.constant 432 : index
    %get3A_249 = tpu.vector_load %arg6[%get3A_248] {strides = array<i32>} : memref<512xi32, #tpu.memory_space<vmem>>, vector<16xi32>,
    tpu.vector_store_idx %arg8[%get3A_249], %broadcast_in_dim3A_194 {add = true} : memref<1024xf32, #tpu.memory_space<vmem>>[vector<16xi32>], vector<16xf32>,
    %get3A_250 = arith.constant 448 : index
    %get3A_251 = tpu.vector_load %arg6[%get3A_250] {strides = array<i32>} : memref<512xi32, #tpu.memory_space<vmem>>, vector<16xi32>,
    tpu.vector_store_idx %arg8[%get3A_251], %broadcast_in_dim3A_194 {add = true} : memref<1024xf32, #tpu.memory_space<vmem>>[vector<16xi32>], vector<16xf32>,
    %get3A_252 = arith.constant 464 : index
    %get3A_253 = tpu.vector_load %arg6[%get3A_252] {strides = array<i32>} : memref<512xi32, #tpu.memory_space<vmem>>, vector<16xi32>,
    tpu.vector_store_idx %arg8[%get3A_253], %broadcast_in_dim3A_194 {add = true} : memref<1024xf32, #tpu.memory_space<vmem>>[vector<16xi32>], vector<16xf32>,
    %get3A_254 = arith.constant 480 : index
    %get3A_255 = tpu.vector_load %arg6[%get3A_254] {strides = array<i32>} : memref<512xi32, #tpu.memory_space<vmem>>, vector<16xi32>,
    tpu.vector_store_idx %arg8[%get3A_255], %broadcast_in_dim3A_194 {add = true} : memref<1024xf32, #tpu.memory_space<vmem>>[vector<16xi32>], vector<16xf32>,
    %get3A_256 = arith.constant 496 : index
    %get3A_257 = tpu.vector_load %arg6[%get3A_256] {strides = array<i32>} : memref<512xi32, #tpu.memory_space<vmem>>, vector<16xi32>,
    tpu.vector_store_idx %arg8[%get3A_257], %broadcast_in_dim3A_194 {add = true} : memref<1024xf32, #tpu.memory_space<vmem>>[vector<16xi32>], vector<16xf32>,
    "tpu.region"() ({
      %run_scoped3A = tpu.sem_alloc : memref<!tpu.dma_semaphore, #tpu.memory_space<semaphore_mem>>
      %dma_start3A_258 = arith.constant 0 : i32
      %dma_start3A_259 = tpu.memref_slice %arg5[%add3A, %dma_start3A_258] : memref<32x1024xf32, #tpu.memory_space<hbm>> -> memref<1x1024xf32, #tpu.memory_space<hbm>>
      %dma_start3A_260 = tpu.memref_squeeze %dma_start3A_259 : memref<1x1024xf32, #tpu.memory_space<hbm>> -> memref<1024xf32, #tpu.memory_space<hbm>>
      %dma_start3A_261 = arith.constant 0 : i32
      %dma_start3A_262 = tpu.memref_slice %arg5[%add3A, %dma_start3A_261] : memref<32x1024xf32, #tpu.memory_space<hbm>> -> memref<1x1024xf32, #tpu.memory_space<hbm>>
      %dma_start3A_263 = tpu.memref_squeeze %dma_start3A_262 : memref<1x1024xf32, #tpu.memory_space<hbm>> -> memref<1024xf32, #tpu.memory_space<hbm>>
      tpu.enqueue_dma source(%arg8 : memref<1024xf32, #tpu.memory_space<vmem>>) target(%dma_start3A_263 : memref<1024xf32, #tpu.memory_space<hbm>>) target_semaphore(%run_scoped3A : memref<!tpu.dma_semaphore, #tpu.memory_space<semaphore_mem>>)
      %dma_wait3A_264 = arith.constant 0 : i32
      %dma_wait3A_265 = tpu.memref_slice %arg5[%add3A, %dma_wait3A_264] : memref<32x1024xf32, #tpu.memory_space<hbm>> -> memref<1x1024xf32, #tpu.memory_space<hbm>>
      %dma_wait3A_266 = tpu.memref_squeeze %dma_wait3A_265 : memref<1x1024xf32, #tpu.memory_space<hbm>> -> memref<1024xf32, #tpu.memory_space<hbm>>
      %dma_wait3A_267 = arith.constant 0 : i32
      %dma_wait3A_268 = tpu.memref_slice %arg5[%add3A, %dma_wait3A_267] : memref<32x1024xf32, #tpu.memory_space<hbm>> -> memref<1x1024xf32, #tpu.memory_space<hbm>>
      %dma_wait3A_269 = tpu.memref_squeeze %dma_wait3A_268 : memref<1x1024xf32, #tpu.memory_space<hbm>> -> memref<1024xf32, #tpu.memory_space<hbm>>
      tpu.wait_dma2 semaphore(%run_scoped3A : memref<!tpu.dma_semaphore, #tpu.memory_space<semaphore_mem>>) src(%arg8 : memref<1024xf32, #tpu.memory_space<vmem>>) dst(%dma_wait3A_269 : memref<1024xf32, #tpu.memory_space<hbm>>)
      tpu.yield
    }) : () -> ()
    return
  }
}

module attributes {stable_mosaic.version = 14 : i64} {
  func.func @_tc_a(%arg0: i32, %arg1: memref<2x64x1024xf32, #tpu.memory_space<vmem>>, %arg2: memref<1024x64xf32, #tpu.memory_space<vmem>>, %arg3: memref<1x2048x1xi32, #tpu.memory_space<vmem>>, %arg4: memref<1x1xf32, #tpu.memory_space<vmem>>, %arg5: memref<1x1xf32, #tpu.memory_space<smem>>) attributes {dimension_semantics = [#tpu.dimension_semantics<arbitrary>], iteration_bounds = array<i64: 8>, scalar_prefetch = 0 : i64, scratch_operands = 1 : i64, tpu.core_type = #tpu.core_type<tc>, window_params = [{transform_indices = @transform_0, window_bounds = array<i64: 2, 64, 1024>}, {pipeline_mode = #tpu.pipeline_mode<synchronous>, transform_indices = @transform_1, window_bounds = array<i64: 1024, 64>}, {transform_indices = @transform_2, window_bounds = array<i64: 1, 2048, 1>}, {pipeline_mode = #tpu.pipeline_mode<synchronous>, transform_indices = @transform_3, window_bounds = array<i64: 1, 1>}]} {
    %get3A = arith.constant 0 : index
    %get3A_0 = arith.constant 0 : index
    %get3A_1 = vector.load %arg2[%get3A, %get3A_0] : memref<1024x64xf32, #tpu.memory_space<vmem>>, vector<1024x64xf32>
    %get3A_2 = arith.constant 0 : index
    %get3A_3 = arith.constant 0 : index
    %get3A_4 = arith.constant 0 : index
    %get3A_5 = vector.load %arg1[%get3A_2, %get3A_3, %get3A_4] : memref<2x64x1024xf32, #tpu.memory_space<vmem>>, vector<1x64x1024xf32>
    %get3A_6 = vector.shape_cast %get3A_5 : vector<1x64x1024xf32> to vector<64x1024xf32>
    %transpose3A = tpu.transpose %get3A_6, [1, 0] : vector<64x1024xf32> -> vector<1024x64xf32>
    %get3A_7 = arith.constant 1 : index
    %get3A_8 = arith.constant 0 : index
    %get3A_9 = arith.constant 0 : index
    %get3A_10 = vector.load %arg1[%get3A_7, %get3A_8, %get3A_9] : memref<2x64x1024xf32, #tpu.memory_space<vmem>>, vector<1x64x1024xf32>
    %get3A_11 = vector.shape_cast %get3A_10 : vector<1x64x1024xf32> to vector<64x1024xf32>
    %transpose3A_12 = tpu.transpose %get3A_11, [1, 0] : vector<64x1024xf32> -> vector<1024x64xf32>
    %concatenate3A = tpu.concatenate %transpose3A, %transpose3A_12 in 0 : vector<1024x64xf32>, vector<1024x64xf32> -> vector<2048x64xf32>
    %add3A = arith.addf %get3A_1, %get3A_1 : vector<1024x64xf32>
    %dot_general3A = arith.constant dense<0.000000e+00> : vector<2048x1024xf32>
    %dot_general3A_13 = tpu.matmul %concatenate3A, %add3A, %dot_general3A {dimension_numbers = #tpu.dot_dimension_numbers<[1], [1], [0], [0], [0, 0, 1, 0], [], []>, transpose_lhs_hint = false} : vector<2048x64xf32>, vector<1024x64xf32>, vector<2048x1024xf32> -> vector<2048x1024xf32>
    %mul3A = arith.mulf %concatenate3A, %concatenate3A : vector<2048x64xf32>
    %reduce_sum3A = arith.constant dense<0.000000e+00> : vector<2048xf32>
    %reduce_sum3A_14 = vector.multi_reduction <add>, %mul3A, %reduce_sum3A [1] : vector<2048x64xf32> to vector<2048xf32>
    %broadcast_in_dim3A = vector.shape_cast %reduce_sum3A_14 : vector<2048xf32> to vector<2048x1xf32>
    %mul3A_15 = arith.mulf %get3A_1, %get3A_1 : vector<1024x64xf32>
    %reduce_sum3A_16 = arith.constant dense<0.000000e+00> : vector<1024xf32>
    %reduce_sum3A_17 = vector.multi_reduction <add>, %mul3A_15, %reduce_sum3A_16 [1] : vector<1024x64xf32> to vector<1024xf32>
    %reshape3A = vector.shape_cast %reduce_sum3A_17 : vector<1024xf32> to vector<1x1024xf32>
    %add3A_18 = vector.broadcast %broadcast_in_dim3A : vector<2048x1xf32> to vector<2048x1024xf32>
    %add3A_19 = vector.broadcast %reshape3A : vector<1x1024xf32> to vector<2048x1024xf32>
    %add3A_20 = arith.addf %add3A_18, %add3A_19 : vector<2048x1024xf32>
    %sub3A = arith.subf %add3A_20, %dot_general3A_13 : vector<2048x1024xf32>
    %iota3A = tpu.iota {dimensions = array<i32: 1>} : vector<2048x1024xi32>
    %reduce_min3A = arith.constant dense<0x7F800000> : vector<2048xf32>
    %reduce_min3A_21 = vector.multi_reduction <minimumf>, %sub3A, %reduce_min3A [1] : vector<2048x1024xf32> to vector<2048xf32>
    %broadcast_in_dim3A_22 = vector.shape_cast %reduce_min3A_21 : vector<2048xf32> to vector<2048x1xf32>
    %eq3A = vector.broadcast %broadcast_in_dim3A_22 : vector<2048x1xf32> to vector<2048x1024xf32>
    %eq3A_23 = arith.cmpf oeq, %sub3A, %eq3A : vector<2048x1024xf32>
    %jit3A = arith.constant 1024 : i32
    %broadcast_in_dim3A_24 = vector.broadcast %jit3A : i32 to vector<2048x1024xi32>
    %select_n3A = arith.select %eq3A_23, %iota3A, %broadcast_in_dim3A_24 : vector<2048x1024xi1>, vector<2048x1024xi32>
    %reduce_min3A_25 = arith.constant dense<2147483647> : vector<2048xi32>
    %reduce_min3A_26 = vector.multi_reduction <minsi>, %select_n3A, %reduce_min3A_25 [1] : vector<2048x1024xi32> to vector<2048xi32>
    %reshape3A_27 = vector.shape_cast %reduce_min3A_26 : vector<2048xi32> to vector<2048x1xi32>
    %swap3A = arith.constant 0 : index
    %swap3A_28 = arith.constant 0 : index
    %swap3A_29 = arith.constant 0 : index
    %swap3A_30 = vector.load %arg3[%swap3A, %swap3A_28, %swap3A_29] : memref<1x2048x1xi32, #tpu.memory_space<vmem>>, vector<1x2048x1xi32>
    %swap3A_31 = vector.shape_cast %swap3A_30 : vector<1x2048x1xi32> to vector<2048x1xi32>
    %swap3A_32 = vector.shape_cast %reshape3A_27 : vector<2048x1xi32> to vector<1x2048x1xi32>
    tpu.vector_store %arg3[%swap3A, %swap3A_28, %swap3A_29], %swap3A_32 {strides = array<i32>} : memref<1x2048x1xi32, #tpu.memory_space<vmem>>, vector<1x2048x1xi32>,
    %reduce_sum3A_33 = vector.shape_cast %broadcast_in_dim3A_22 : vector<2048x1xf32> to vector<1x2048x1xf32>
    %reduce_sum3A_34 = arith.constant dense<0.000000e+00> : vector<1xf32>
    %reduce_sum3A_35 = vector.multi_reduction <add>, %reduce_sum3A_33, %reduce_sum3A_34 [1, 2] : vector<1x2048x1xf32> to vector<1xf32>
    %reduce_sum3A_36 = vector.shape_cast %reduce_sum3A_35 : vector<1xf32> to vector<1x1x1xf32>
    %reduce_sum3A_37 = vector.extract %reduce_sum3A_36[0, 0, 0] : f32 from vector<1x1x1xf32>
    %eq3A_38 = arith.constant 0 : i32
    %eq3A_39 = arith.cmpi eq, %arg0, %eq3A_38 : i32
    %convert_element_type3A = arith.extui %eq3A_39 : i1 to i32
    %cond3A = arith.constant 0 : i32
    %cond3A_40 = arith.cmpi ne, %convert_element_type3A, %cond3A : i32
    scf.if %cond3A_40 {
      %swap3A_50 = arith.constant 0 : index
      %swap3A_51 = arith.constant 0 : index
      %swap3A_52 = memref.load %arg5[%swap3A_50, %swap3A_51] : memref<1x1xf32, #tpu.memory_space<smem>>
      memref.store %reduce_sum3A_37, %arg5[%swap3A_50, %swap3A_51] : memref<1x1xf32, #tpu.memory_space<smem>>
    } else {
    }
    %gt3A = arith.constant 0 : i32
    %gt3A_41 = arith.cmpi sgt, %arg0, %gt3A : i32
    %convert_element_type3A_42 = arith.extui %gt3A_41 : i1 to i32
    %cond3A_43 = arith.constant 0 : i32
    %cond3A_44 = arith.cmpi ne, %convert_element_type3A_42, %cond3A_43 : i32
    scf.if %cond3A_44 {
      %get3A_50 = arith.constant 0 : index
      %get3A_51 = arith.constant 0 : index
      %get3A_52 = memref.load %arg5[%get3A_50, %get3A_51] : memref<1x1xf32, #tpu.memory_space<smem>>
      %add3A_53 = arith.addf %get3A_52, %reduce_sum3A_37 : f32
      %swap3A_54 = arith.constant 0 : index
      %swap3A_55 = arith.constant 0 : index
      %swap3A_56 = memref.load %arg5[%swap3A_54, %swap3A_55] : memref<1x1xf32, #tpu.memory_space<smem>>
      memref.store %add3A_53, %arg5[%swap3A_54, %swap3A_55] : memref<1x1xf32, #tpu.memory_space<smem>>
    } else {
    }
    %eq3A_45 = arith.constant 7 : i32
    %eq3A_46 = arith.cmpi eq, %arg0, %eq3A_45 : i32
    %convert_element_type3A_47 = arith.extui %eq3A_46 : i1 to i32
    %cond3A_48 = arith.constant 0 : i32
    %cond3A_49 = arith.cmpi ne, %convert_element_type3A_47, %cond3A_48 : i32
    scf.if %cond3A_49 {
      %get3A_50 = arith.constant 0 : index
      %get3A_51 = arith.constant 0 : index
      %get3A_52 = memref.load %arg5[%get3A_50, %get3A_51] : memref<1x1xf32, #tpu.memory_space<smem>>
      %mul3A_53 = arith.constant 1.250000e+00 : f32
      %mul3A_54 = arith.mulf %mul3A_53, %get3A_52 : f32
      %div3A = arith.constant 0x49800000 : f32
      %div3A_55 = arith.divf %mul3A_54, %div3A : f32
      %reshape3A_56 = vector.broadcast %div3A_55 : f32 to vector<1x1xf32>
      %swap3A_57 = arith.constant 0 : index
      %swap3A_58 = arith.constant 0 : index
      %swap3A_59 = vector.load %arg4[%swap3A_57, %swap3A_58] : memref<1x1xf32, #tpu.memory_space<vmem>>, vector<1x1xf32>
      tpu.vector_store %arg4[%swap3A_57, %swap3A_58], %reshape3A_56 {strides = array<i32>} : memref<1x1xf32, #tpu.memory_space<vmem>>, vector<1x1xf32>,
    } else {
    }
    return
  }
  func.func @transform_0(%arg0: i32) -> (i32, i32, i32) {
    %c0_i32 = arith.constant 0 : i32
    %c0_i32_0 = arith.constant 0 : i32
    %c0_i32_1 = arith.constant 0 : i32
    return %arg0, %c0_i32, %c0_i32_0 : i32, i32, i32
  }
  func.func @transform_1(%arg0: i32) -> (i32, i32) {
    %c0_i32 = arith.constant 0 : i32
    %c0_i32_0 = arith.constant 0 : i32
    %c0_i32_1 = arith.constant 0 : i32
    return %c0_i32, %c0_i32_0 : i32, i32
  }
  func.func @transform_2(%arg0: i32) -> (i32, i32, i32) {
    %c0_i32 = arith.constant 0 : i32
    %c0_i32_0 = arith.constant 0 : i32
    %c0_i32_1 = arith.constant 0 : i32
    return %arg0, %c0_i32, %c0_i32_0 : i32, i32, i32
  }
  func.func @transform_3(%arg0: i32) -> (i32, i32) {
    %c0_i32 = arith.constant 0 : i32
    %c0_i32_0 = arith.constant 0 : i32
    %c0_i32_1 = arith.constant 0 : i32
    return %c0_i32, %c0_i32_0 : i32, i32
  }
}

module attributes {stable_mosaic.version = 14 : i64} {
  func.func @_tc_c(%arg0: i32, %arg1: memref<2x64x1024xf32, #tpu.memory_space<vmem>>, %arg2: memref<2x1024x64xf32, #tpu.memory_space<vmem>>, %arg3: memref<32x1024xf32, #tpu.memory_space<vmem>>, %arg4: memref<2x64x1024xf32, #tpu.memory_space<vmem>>, %arg5: memref<1x1xf32, #tpu.memory_space<vmem>>) attributes {dimension_semantics = [#tpu.dimension_semantics<arbitrary>], iteration_bounds = array<i64: 8>, scalar_prefetch = 0 : i64, scratch_operands = 0 : i64, tpu.core_type = #tpu.core_type<tc>, window_params = [{transform_indices = @transform_0, window_bounds = array<i64: 2, 64, 1024>}, {transform_indices = @transform_1, window_bounds = array<i64: 2, 1024, 64>}, {pipeline_mode = #tpu.pipeline_mode<synchronous>, transform_indices = @transform_2, window_bounds = array<i64: 32, 1024>}, {transform_indices = @transform_3, window_bounds = array<i64: 2, 64, 1024>}, {pipeline_mode = #tpu.pipeline_mode<synchronous>, transform_indices = @transform_4, window_bounds = array<i64: 1, 1>}]} {
    %get3A = arith.constant 0 : index
    %get3A_0 = arith.constant 0 : index
    %get3A_1 = arith.constant 0 : index
    %get3A_2 = vector.load %arg1[%get3A, %get3A_0, %get3A_1] : memref<2x64x1024xf32, #tpu.memory_space<vmem>>, vector<1x64x1024xf32>
    %get3A_3 = vector.shape_cast %get3A_2 : vector<1x64x1024xf32> to vector<64x1024xf32>
    %get3A_4 = arith.constant 0 : index
    %get3A_5 = arith.constant 0 : index
    %get3A_6 = arith.constant 0 : index
    %get3A_7 = vector.load %arg2[%get3A_4, %get3A_5, %get3A_6] : memref<2x1024x64xf32, #tpu.memory_space<vmem>>, vector<1x1024x64xf32>
    %get3A_8 = vector.shape_cast %get3A_7 : vector<1x1024x64xf32> to vector<1024x64xf32>
    %transpose3A = tpu.transpose %get3A_8, [1, 0] : vector<1024x64xf32> -> vector<64x1024xf32>
    %sub3A = arith.subf %transpose3A, %get3A_3 : vector<64x1024xf32>
    %add3A = arith.addf %get3A_3, %sub3A : vector<64x1024xf32>
    %swap3A = arith.constant 0 : index
    %swap3A_9 = arith.constant 0 : index
    %swap3A_10 = arith.constant 0 : index
    %swap3A_11 = vector.load %arg4[%swap3A, %swap3A_9, %swap3A_10] : memref<2x64x1024xf32, #tpu.memory_space<vmem>>, vector<1x64x1024xf32>
    %swap3A_12 = vector.shape_cast %swap3A_11 : vector<1x64x1024xf32> to vector<64x1024xf32>
    %swap3A_13 = vector.shape_cast %add3A : vector<64x1024xf32> to vector<1x64x1024xf32>
    tpu.vector_store %arg4[%swap3A, %swap3A_9, %swap3A_10], %swap3A_13 {strides = array<i32>} : memref<2x64x1024xf32, #tpu.memory_space<vmem>>, vector<1x64x1024xf32>,
    %get3A_14 = arith.constant 1 : index
    %get3A_15 = arith.constant 0 : index
    %get3A_16 = arith.constant 0 : index
    %get3A_17 = vector.load %arg1[%get3A_14, %get3A_15, %get3A_16] : memref<2x64x1024xf32, #tpu.memory_space<vmem>>, vector<1x64x1024xf32>
    %get3A_18 = vector.shape_cast %get3A_17 : vector<1x64x1024xf32> to vector<64x1024xf32>
    %get3A_19 = arith.constant 1 : index
    %get3A_20 = arith.constant 0 : index
    %get3A_21 = arith.constant 0 : index
    %get3A_22 = vector.load %arg2[%get3A_19, %get3A_20, %get3A_21] : memref<2x1024x64xf32, #tpu.memory_space<vmem>>, vector<1x1024x64xf32>
    %get3A_23 = vector.shape_cast %get3A_22 : vector<1x1024x64xf32> to vector<1024x64xf32>
    %transpose3A_24 = tpu.transpose %get3A_23, [1, 0] : vector<1024x64xf32> -> vector<64x1024xf32>
    %sub3A_25 = arith.subf %transpose3A_24, %get3A_18 : vector<64x1024xf32>
    %add3A_26 = arith.addf %get3A_18, %sub3A_25 : vector<64x1024xf32>
    %swap3A_27 = arith.constant 1 : index
    %swap3A_28 = arith.constant 0 : index
    %swap3A_29 = arith.constant 0 : index
    %swap3A_30 = vector.load %arg4[%swap3A_27, %swap3A_28, %swap3A_29] : memref<2x64x1024xf32, #tpu.memory_space<vmem>>, vector<1x64x1024xf32>
    %swap3A_31 = vector.shape_cast %swap3A_30 : vector<1x64x1024xf32> to vector<64x1024xf32>
    %swap3A_32 = vector.shape_cast %add3A_26 : vector<64x1024xf32> to vector<1x64x1024xf32>
    tpu.vector_store %arg4[%swap3A_27, %swap3A_28, %swap3A_29], %swap3A_32 {strides = array<i32>} : memref<2x64x1024xf32, #tpu.memory_space<vmem>>, vector<1x64x1024xf32>,
    %eq3A = arith.constant 7 : i32
    %eq3A_33 = arith.cmpi eq, %arg0, %eq3A : i32
    %convert_element_type3A = arith.extui %eq3A_33 : i1 to i32
    %cond3A = arith.constant 0 : i32
    %cond3A_34 = arith.cmpi ne, %convert_element_type3A, %cond3A : i32
    scf.if %cond3A_34 {
      %get3A_35 = arith.constant 0 : index
      %get3A_36 = arith.constant 0 : index
      %get3A_37 = vector.load %arg3[%get3A_35, %get3A_36] : memref<32x1024xf32, #tpu.memory_space<vmem>>, vector<32x1024xf32>
      %reduce_sum3A = arith.constant dense<0.000000e+00> : vector<1024xf32>
      %reduce_sum3A_38 = vector.multi_reduction <add>, %get3A_37, %reduce_sum3A [0] : vector<32x1024xf32> to vector<1024xf32>
      %broadcast_in_dim3A = vector.shape_cast %reduce_sum3A_38 : vector<1024xf32> to vector<1x1024xf32>
      %div3A = arith.constant 1.638400e+04 : f32
      %div3A_39 = vector.broadcast %div3A : f32 to vector<1x1024xf32>
      %div3A_40 = arith.divf %broadcast_in_dim3A, %div3A_39 : vector<1x1024xf32>
      %add3A_41 = arith.constant 1.000000e-10 : f32
      %add3A_42 = vector.broadcast %add3A_41 : f32 to vector<1x1024xf32>
      %add3A_43 = arith.addf %div3A_40, %add3A_42 : vector<1x1024xf32>
      %log3A = math.log %add3A_43 : vector<1x1024xf32>
      %mul3A = arith.mulf %div3A_40, %log3A : vector<1x1024xf32>
      %reduce_sum3A_44 = vector.shape_cast %mul3A : vector<1x1024xf32> to vector<1x1x1024xf32>
      %reduce_sum3A_45 = arith.constant dense<0.000000e+00> : vector<1xf32>
      %reduce_sum3A_46 = vector.multi_reduction <add>, %reduce_sum3A_44, %reduce_sum3A_45 [1, 2] : vector<1x1x1024xf32> to vector<1xf32>
      %reduce_sum3A_47 = vector.shape_cast %reduce_sum3A_46 : vector<1xf32> to vector<1x1x1xf32>
      %reduce_sum3A_48 = vector.extract %reduce_sum3A_47[0, 0, 0] : f32 from vector<1x1x1xf32>
      %neg3A = arith.constant 0.000000e+00 : f32
      %neg3A_49 = arith.subf %neg3A, %reduce_sum3A_48 : f32
      %exp3A = math.exp %neg3A_49 : f32
      %reshape3A = vector.broadcast %exp3A : f32 to vector<1x1xf32>
      %swap3A_50 = arith.constant 0 : index
      %swap3A_51 = arith.constant 0 : index
      %swap3A_52 = vector.load %arg5[%swap3A_50, %swap3A_51] : memref<1x1xf32, #tpu.memory_space<vmem>>, vector<1x1xf32>
      tpu.vector_store %arg5[%swap3A_50, %swap3A_51], %reshape3A {strides = array<i32>} : memref<1x1xf32, #tpu.memory_space<vmem>>, vector<1x1xf32>,
    } else {
    }
    return
  }
  func.func @transform_0(%arg0: i32) -> (i32, i32, i32) {
    %c0_i32 = arith.constant 0 : i32
    %c0_i32_0 = arith.constant 0 : i32
    %c0_i32_1 = arith.constant 0 : i32
    return %arg0, %c0_i32, %c0_i32_0 : i32, i32, i32
  }
  func.func @transform_1(%arg0: i32) -> (i32, i32, i32) {
    %c0_i32 = arith.constant 0 : i32
    %c0_i32_0 = arith.constant 0 : i32
    %c0_i32_1 = arith.constant 0 : i32
    return %arg0, %c0_i32, %c0_i32_0 : i32, i32, i32
  }
  func.func @transform_2(%arg0: i32) -> (i32, i32) {
    %c0_i32 = arith.constant 0 : i32
    %c0_i32_0 = arith.constant 0 : i32
    %c0_i32_1 = arith.constant 0 : i32
    return %c0_i32, %c0_i32_0 : i32, i32
  }
  func.func @transform_3(%arg0: i32) -> (i32, i32, i32) {
    %c0_i32 = arith.constant 0 : i32
    %c0_i32_0 = arith.constant 0 : i32
    %c0_i32_1 = arith.constant 0 : i32
    return %arg0, %c0_i32, %c0_i32_0 : i32, i32, i32
  }
  func.func @transform_4(%arg0: i32) -> (i32, i32) {
    %c0_i32 = arith.constant 0 : i32
    %c0_i32_0 = arith.constant 0 : i32
    %c0_i32_1 = arith.constant 0 : i32
    return %c0_i32, %c0_i32_0 : i32, i32
  }
}

</mosaic_0001>

<sc_bundles>
// kernel: kernel.5.cloned.1.call-start
scs
__scs_entry_jumppad:
0x0: {  	(pc) =	sbr.rel $0x88, $3  }
0x1: {  	(tag) =	ssettag $0x0;
	lr =	simm.s32 $0x1  }
0x2: {  	[smem:$0x3F9F] =	sst lr;
	_ =	strace $0xD0000000  }
0x3: {  	_ = 	snop  }
0x4: {  	_ = 	snop  }
0x5: {  	_ = 	snop  }
0x6: {  	_ = 	snop  }
0x7: {  	_ = 	snop  }
__scs_overlays_trampoline_lowered:
0x8: {  	[smem:$0x3FAE] =	sst s0  }
0x9: {  	[smem:$0x3FAF] =	sst s1  }
0xa: {  	[smem:$0x3FB0] =	sst s2  }
0xb: {  	[smem:$0x3FB1] =	sst s3  }
0xc: {  	[smem:$0x3FB2] =	sst s4  }
0xd: {  	[smem:$0x3FB3] =	sst s5  }
0xe: {  	[smem:$0x3FB4] =	sst s6  }
0xf: {  	[smem:$0x3FB5] =	sst s7  }
0x10: {  	[smem:$0x3FB6] =	sst s8  }
0x11: {  	[smem:$0x3FB7] =	sst s9;
	s0 =	simm.s32 @!p0 $0x0  }
0x12: {  	s1 =	sld [smem:$0x3F9D];
	s0 =	simm.s32 @p0 $0x1  }
0x13: {  	[smem:$0x3FB8] =	sst s0;
	s0 =	simm.s32 @!p1 $0x0  }
0x14: {  	s2 =	sld [smem:$0x3F9C];
	s0 =	simm.s32 @p1 $0x1  }
0x15: {  	[smem:$0x3FB9] =	sst s0;
	s0 =	simm.s32 @!p2 $0x0  }
0x16: {  	s3 =	sld [smem:$0x3FDB];
	s0 =	simm.s32 @p2 $0x1  }
0x17: {  	s4 =	simm.s32 $0x1BF5;
	[smem:$0x3FBB] =	sst s0  }
0x18: {  	s0 =	sld [smem:$0x3F9E];
	_ =	swait.ge [sflag:s4], $0x0  }
0x19: {  	s7 =	sld [smem:$0x3F9F]  }
0x1a: {  	s8 =	sadd.s32 $0xFFFFE003, lr  }
0x1b: {  	s9 =	sadd.s32 $0xFFFFFEF7, lr;
	s5 =	simm.s32 $0xFFFFFFFF;
	p2 =	slt.u32 s8, $0xFFFFF086  }
0x1c: {  	p1 =	slt.u32 s9, $0xF7A;
	s5 =	simm.s32 @!p2 $0x0  }
0x1d: {  	s5 =	simm.s32 @p1 $0x1;
	p0 =	seq.s32 s7, s2  }
0x1e: {  	s7 =	smul.u32 @!p0 $0xF7A, s2;
	p2 =	seq.s32 @!p0 s5, $0x0  }
0x1f: {  	s9 =	smul.u32 $0xF7A, s1;
	s8 =	simm.s32 @!p0 $0x1BF5;
	p2 =	por !p2, p0  }
0x20: {  	[sflag:s8] =	ssyncset.s32 @!p0 $0xFFFFF086;
	s6 =	sadd.s32 @!p0 s3, s7;
	s7 =	simm.s32 @!p0 $0x108  }
0x21: {  	s3 =	sadd.s32 s3, s9;
	s6 =	sadd.s32 @!p0 $0x88, s6;
	s7 =	simm.s32 @p2 $0x1082  }
0x22: {  	[simem:s7], [sflag:s8] =	dma.local @!p0 [hbm:s6], $0xF7A  }
0x23: {  	s9 =	sor.u32 $0xD0000000, s2;
	s6 =	simm.s32 $0x108;
	_ =	swait.ge @!p0 [sflag:s8], $0x0  }
0x24: {  	s3 =	sadd.s32 $0x88, s3;
	s6 =	simm.s32 @!p1 $0x1082;
	[sflag:s4] =	ssyncset.s32 $0xFFFFF086  }
0x25: {  	[simem:s6], [sflag:s4] =	dma.local [hbm:s3], $0xF7A  }
0x26: {  	[smem:$0x3F9F] =	sst s1;
	(tag) =	ssettag s2;
	_ =	strace s9  }
0x27: {  	s1 =	sld [smem:$0x3FAF]  }
0x28: {  	s2 =	sld [smem:$0x3FB0]  }
0x29: {  	s4 =	sld [smem:$0x3FB2]  }
0x2a: {  	p0 =	seq.s32 s5, $0x0;
	s5 =	sld [smem:$0x3FB3]  }
0x2b: {  	s6 =	sld [smem:$0x3FB4]  }
0x2c: {  	s7 =	sld [smem:$0x3FB5]  }
0x2d: {  	s3 =	simm.s32 $0x108;
	s8 =	sld [smem:$0x3FB6]  }
0x2e: {  	s3 =	simm.s32 @!p0 $0x1082;
	s9 =	sld [smem:$0x3FB7]  }
0x2f: {  	lr =	sadd.s32 s0, s3;
	s0 =	sld [smem:$0x3FAE]  }
0x30: {  	s3 =	sld [smem:$0x3FB1]  }
0x31: {  	[smem:$0x3FBA] =	sst s10  }
0x32: {  	s10 =	sld [smem:$0x3FB8];
	_ =	sdelay $0x3  }
0x33: {  	p0 =	seq.s32 s10, $0x1;
	s10 =	sld [smem:$0x3FBA];
	_ =	sdelay $0x3  }
0x34: {  	[smem:$0x3FBA] =	sst s10  }
0x35: {  	s10 =	sld [smem:$0x3FB9];
	_ =	sdelay $0x3  }
0x36: {  	p1 =	seq.s32 s10, $0x1;
	s10 =	sld [smem:$0x3FBA];
	_ =	sdelay $0x3  }
0x37: {  	[smem:$0x3FBA] =	sst s10  }
0x38: {  	s10 =	sld [smem:$0x3FBB]  }
0x39: {  	_ = 	snop;
	(pc) =	sbr.ind lr, $3  }
0x3a: {  	_ = 	snop  }
0x3b: {  	_ = 	snop  }
0x3c: {  	p2 =	seq.s32 s10, $0x1;
	s10 =	sld [smem:$0x3FBA]  }
0x3d: {  	_ =	shalt  }
0x3e: {  	_ =	shalt  }
0x3f: {  	_ =	shalt  }
0x40: {  	_ =	shalt  }
0x41: {  	_ =	shalt  }
0x42: {  	_ =	shalt  }
0x43: {  	_ =	shalt  }
0x44: {  	_ =	shalt  }
0x45: {  	_ =	shalt  }
0x46: {  	_ =	shalt  }
0x47: {  	_ =	shalt  }
0x48: {  	_ =	shalt  }
0x49: {  	_ =	shalt  }
0x4a: {  	_ =	shalt  }
0x4b: {  	_ =	shalt  }
0x4c: {  	_ =	shalt  }
0x4d: {  	_ =	shalt  }
0x4e: {  	_ =	shalt  }
0x4f: {  	_ =	shalt  }
0x50: {  	_ =	shalt  }
0x51: {  	_ =	shalt  }
0x52: {  	_ =	shalt  }
0x53: {  	_ =	shalt  }
0x54: {  	_ =	shalt  }
0x55: {  	_ =	shalt  }
0x56: {  	_ =	shalt  }
0x57: {  	_ =	shalt  }
0x58: {  	_ =	shalt  }
0x59: {  	_ =	shalt  }
0x5a: {  	_ =	shalt  }
0x5b: {  	_ =	shalt  }
0x5c: {  	_ =	shalt  }
0x5d: {  	_ =	shalt  }
0x5e: {  	_ =	shalt  }
0x5f: {  	_ =	shalt  }
0x60: {  	_ =	shalt  }
0x61: {  	_ =	shalt  }
0x62: {  	_ =	shalt  }
0x63: {  	_ =	shalt  }
0x64: {  	_ =	shalt  }
0x65: {  	_ =	shalt  }
0x66: {  	_ =	shalt  }
0x67: {  	_ =	shalt  }
0x68: {  	_ =	shalt  }
0x69: {  	_ =	shalt  }
0x6a: {  	_ =	shalt  }
0x6b: {  	_ =	shalt  }
0x6c: {  	_ =	shalt  }
0x6d: {  	_ =	shalt  }
0x6e: {  	_ =	shalt  }
0x6f: {  	_ =	shalt  }
0x70: {  	_ =	shalt  }
0x71: {  	_ =	shalt  }
0x72: {  	_ =	shalt  }
0x73: {  	_ =	shalt  }
0x74: {  	_ =	shalt  }
0x75: {  	_ =	shalt  }
0x76: {  	_ =	shalt  }
0x77: {  	_ =	shalt  }
0x78: {  	_ =	shalt  }
0x79: {  	_ =	shalt  }
0x7a: {  	_ =	shalt  }
0x7b: {  	_ =	shalt  }
0x7c: {  	_ =	shalt  }
0x7d: {  	_ =	shalt  }
0x7e: {  	_ =	shalt  }
0x7f: {  	_ =	shalt  }
0x80: {  	_ =	shalt  }
0x81: {  	_ =	shalt  }
0x82: {  	_ =	shalt  }
0x83: {  	_ =	shalt  }
0x84: {  	_ =	shalt  }
0x85: {  	_ =	shalt  }
0x86: {  	_ =	shalt  }
0x87: {  	_ =	shalt  }
.Lfunc_end0:
.L_simem_size_0:
called_computation_lowered:
.L_overlay_start_0:
0x88: {  	s2 =	sld [smem:$0x3FD9]  }
0x89: {  	s3 =	sld [smem:$0x3FFE];
	_ =	sdelay $0x1  }
0x8a: {  	s1 =	srdreg.scid  }
0x8b: {  	s0 =	sand.u32 $0x1, s1  }
0x8c: {  	s14 =	sshll.u32 s0, $0xA;
	s2 =	sadd.s32 s3, s2  }
0x8d: {  	s2 =	sadd.s32 s2, s14  }
0x8e: {  	[smem:$0x3FC6] =	sst s2  }
0x8f: {  	_ = 	snop  }
0x90: {  	s2 =	sld [smem:$0x3FD0];
	_ =	sdelay $0x2  }
0x91: {  	s15 =	simm.s32 $0xA;
	s4 =	simm.s32 $0x10  }
0x92: {  	[smem:s4], [sflag:s15] =	dma.local [hbm:s2], $0x1  }
0x93: {  	_ =	swait.eq [sflag:s15], $0x1  }
0x94: {  	[sflag:s15] =	ssyncset.done $0x0  }
0x95: {  	[sflag:s15] =	ssyncadd.s32 $0xFFFFFFFF  }
0x96: {  	s16 =	sld [smem:$0x10];
	(tm) =	ssettm $0x1  }
0x97: {  	s17 =	sld [smem:$0x3FFB];
	_ =	sdelay $0x3  }
0x98: {  	_ =	strace s17  }
0x99: {  	s3 =	sld [smem:$0x3FFC];
	_ =	sdelay $0x3  }
0x9a: {  	_ =	strace s3  }
0x9b: {  	s3 =	sld [smem:$0x3FFD];
	_ =	sdelay $0x3  }
0x9c: {  	_ =	strace s3  }
0x9d: {  	_ =	strace $0x8FFFFFFF  }
0x9e: {  	s18 =	sld [smem:$0x3FDB];
	_ =	sdelay $0x1  }
0x9f: {  	s19 =	simm.s32 $_scs_section_size  }
0xa0: {  	s5 =	simm.s32 $_size__tile_overlayer_lowered;
	s6 =	simm.s32 $_tile_overlayer_lowered  }
0xa1: {  	s22 =	simm.s32 $0x1BFF;
	s21 =	sshll.u32 s6, $0x1;
	s3 =	sadd.s32 s19, s18  }
0xa2: {  	s7 =	simm.s32 $0x0;
	s20 =	sshll.u32 s5, $0x1;
	s5 =	sadd.s32 s21, s3  }
0xa3: {  	[timem:s7], [sflag:s22] =	dma.local [hbm:s5], s20  }
0xa4: {  	_ =	swait.ge [sflag:s22], s20  }
0xa5: {  	s4 =	ssub.s32 $0x0, s20;
	[sflag:s22] =	ssyncset.done $0x0  }
0xa6: {  	[sflag:s22] =	ssyncadd.s32 s4;
	_ =	sdelay $0x1  }
0xa7: {  	s23 =	simm.s32 $0x1B8B  }
0xa8: {  	_ =	swait.ge [sflag:s23], $0x1  }
0xa9: {  	[sflag:s23] =	ssyncset.done $0x0  }
0xaa: {  	s25 =	simm.s32 $0x1B8E;
	s24 =	sld [smem:$0x3FFE];
	[sflag:s23] =	ssyncadd.s32 $0xFFFFFFFF  }
0xab: {  	s26 =	simm.s32 $execute0_lowered;
	[smem:$0x3FD2] =	sst s25  }
0xac: {  	s5 =	sshll.u32 s26, $0x1;
	_ =	strace $0x80000046;
	[dreg:$0x1] =	wrdreg $0xFFFFFFFF  }
0xad: {  	s28 =	simm.s32 $_size_execute0_lowered;
	s3 =	sadd.s32 s3, s5;
	[dreg:$0x0] =	wrdreg $0x0  }
0xae: {  	s5 =	sshll.u32 s28, $0x1;
	[dreg:$0x2] =	wrdreg s3  }
0xaf: {  	[dreg:$0x3] =	wrdreg s5  }
0xb0: {  	[dreg:$0x4] =	wrdreg $0xC0  }
0xb1: {  	_ =	task [dreg:s7], $0x5FFFF  }
0xb2: {  	[dreg:$0x1] =	wrdreg $0xFFFFFFFF  }
0xb3: {  	[dreg:$0x0] =	wrdreg $0x60  }
0xb4: {  	[dreg:$0x2] =	wrdreg s24  }
0xb5: {  	[dreg:$0x3] =	wrdreg s16  }
0xb6: {  	[dreg:$0x4] =	wrdreg $0x9  }
0xb7: {  	_ =	task.clear_ibuf [dreg:s7], $0x5FFFF;
	_ =	strace $0x90000046  }
0xb8: {  	s29 =	simm.s32 $0x9;
	_ =	strace $0x80000048  }
0xb9: {  	_ =	swait.ge [sflag:s29], $0x1  }
0xba: {  	[sflag:s29] =	ssyncadd.s32 $0xFFFFFFFF  }
0xbb: {  	_ =	strace $0x90000048  }
0xbc: {  	_ =	sfence  }
0xbd: {  	s30 =	sld [smem:$0x0];
	_ =	sdelay $0x2  }
0xbe: {  	s31 =	sshll.u32 s1, $0xD;
	s1 =	sshrl.u32 s1, $0x2  }
0xbf: {  	s3 =	sand.u32 $0x4000, s31;
	s1 =	sadd.s32 s1, s30  }
0xc0: {  	s0 =	sor.u32 s3, s0;
	s1 =	sshll.u32 s1, $0x11  }
0xc1: {  	s0 =	sor.u32 s1, s0  }
0xc2: {  	s0 =	sadd.s32 $0x8F2B, s0  }
0xc3: {  	[sflag:s0] =	ssyncadd.remote.s32 $0x1  }
0xc4: {  	_ =	sfence.sel $0xFFFF  }
0xc5: {  	[dreg:$0x0] =	wrdreg $0xFFFFFFFF;
	(pc) =	sbr.abs _section_cstart, $3  }
0xc6: {  	[dreg:$0x1] =	wrdreg $0xFFFFFFFF  }
0xc7: {  	_ =	task.clear_ibuf [dreg:s7], $0x2FFFF;
	_ =	strace $0x9FFFFFFF  }
0xc8: {  	(tm) =	ssettm $0x7FFFFFFF  }
0xc9: {  	_ =	shalt  }
tec
execute0_lowered:
.L_overlay_start_1:
0x0: {  	(tag) =	ssettag $0x1  }
0x1: {  	s4 =	rddreg [dreg:$0x0]  }
0x2: {  	s5 =	rddreg [dreg:$0x1]  }
0x3: {  	s0 =	rddreg [dreg:$0x2];
	s3 =	srdreg.scid  }
0x4: {  	s1 =	stileid.u32;
	s2 =	simm.s32 $0x0;
	s11 =	simm.s32 $0x2200  }
0x5: {  	s12 =	simm.s32 $0x100;
	s13 =	simm.s32 $0x4200;
	s14 =	simm.s32 $0x180  }
0x6: {  	s15 =	simm.s32 $0x6200;
	s16 =	simm.s32 $0x1;
	s17 =	simm.s32 $0x8200  }
0x7: {  	s6 =	sand.u32 $0x1, s3;
	s30 =	sshll.u32 s1, $0x1;
	[smem:$0x7FF] =	sst s2  }
0x8: {  	s3 =	sadd.s32 $0x800, s4;
	s7 =	sor.u32 s6, s30;
	_ =	strace $0x80000047  }
0x9: {  	s6 =	ssub.s32 $0x2, s6;
	s8 =	sshll.u32 s7, $0x6;
	s9 =	sshll.u32 s7, $0x7  }
0xa: {  	s31 =	sshrl.u32 s6, $0x1;
	s7 =	sshll.u32 s7, $0xC;
	s8 =	sadd.s32 s8, s4  }
0xb: {  	s9 =	sadd.s32 s9, s4;
	s10 =	ssub.s32 s6, s31;
	s5 =	sadd.s32 s5, s7  }
0xc: {  	s4 =	sadd.s32 $0x2800, s8;
	s6 =	sadd.s32 $0x3000, s9;
	s7 =	smax.u32 s10, $0x1  }
0xd: {  	v0 =	vimm.f32 $0.0e+00;
	v1 =	vimm.f32 $1.000000000e+00;
	s8 =	simm.s32 $0x2;
	s9 =	simm.s32 $0x80;
	s10 =	simm.s32 $0x200  }
.LBB2_1:
0xe: {  	[tilespmem:s2], [sflag:$0x2] =	stream.linear.gather [hbm4b:s4+s2], $0x200, $0x38;
	[tilespmem:$0x8600] =	vst v63  }
0xf: {  	_ =	swait.ge [sflag:s8], $0x200  }
0x10: {  	[sflag:s8] =	ssyncset.done $0x0  }
0x11: {  	[sflag:s8] =	ssyncadd.s32 $0xFFFFFE00  }
0x12: {  	[tilespmem:s10], [sflag:$0x1] =	stream.indirect.gather [hbm4b:s3+s9], $0x40, s2, s9, $0xb8;
	[tilespmem:$0x8600] =	vst v63  }
0x13: {  	_ = 	snop  }
0x14: {  	[tilespmem:s11], [sflag:$0x1] =	stream.indirect.gather [hbm4b:s3+s9], $0x40, s9, s9, $0xb8;
	[tilespmem:$0x8600] =	vst v63  }
0x15: {  	_ = 	snop  }
0x16: {  	[tilespmem:s13], [sflag:$0x1] =	stream.indirect.gather [hbm4b:s3+s9], $0x40, s12, s9, $0xb8;
	[tilespmem:$0x8600] =	vst v63  }
0x17: {  	_ = 	snop  }
0x18: {  	[tilespmem:s15], [sflag:$0x1] =	stream.indirect.gather [hbm4b:s3+s9], $0x40, s14, s9, $0xb8;
	[tilespmem:$0x8600] =	vst v63  }
0x19: {  	_ =	swait.ge [sflag:s16], $0x2000  }
0x1a: {  	[sflag:s16] =	ssyncset.done $0x0  }
0x1b: {  	[sflag:s16] =	ssyncadd.s32 $0xFFFFE000  }
0x1c: {  	_ =	swait.ge [sflag:s16], $0x2000  }
0x1d: {  	[sflag:s16] =	ssyncset.done $0x0  }
0x1e: {  	[sflag:s16] =	ssyncadd.s32 $0xFFFFE000  }
0x1f: {  	_ =	swait.ge [sflag:s16], $0x2000  }
0x20: {  	[sflag:s16] =	ssyncset.done $0x0  }
0x21: {  	[sflag:s16] =	ssyncadd.s32 $0xFFFFE000  }
0x22: {  	_ =	swait.ge [sflag:s16], $0x2000  }
0x23: {  	[sflag:s16] =	ssyncset.done $0x0  }
0x24: {  	[sflag:s16] =	ssyncadd.s32 $0xFFFFE000  }
0x25: {  	[hbm4b:s5+s2] =	stream.linear.scatter [tilespmem:s10], [sflag:$0x2], $0x8000, $0x38;
	[tilespmem:$0x8600] =	vst v63  }
0x26: {  	_ =	swait.ge [sflag:s8], $0x8000  }
0x27: {  	[sflag:s8] =	ssyncset.done $0x0  }
0x28: {  	[sflag:s8] =	ssyncadd.s32 $0xFFFF8000  }
0x29: {  	[tilespmem:$0x8200] =	vst v0  }
0x2a: {  	[tilespmem:$0x8210] =	vst v0  }
0x2b: {  	[tilespmem:$0x8220] =	vst v0  }
0x2c: {  	[tilespmem:$0x8230] =	vst v0  }
0x2d: {  	[tilespmem:$0x8240] =	vst v0  }
0x2e: {  	[tilespmem:$0x8250] =	vst v0  }
0x2f: {  	[tilespmem:$0x8260] =	vst v0  }
0x30: {  	[tilespmem:$0x8270] =	vst v0  }
0x31: {  	[tilespmem:$0x8280] =	vst v0  }
0x32: {  	[tilespmem:$0x8290] =	vst v0  }
0x33: {  	[tilespmem:$0x82A0] =	vst v0  }
0x34: {  	[tilespmem:$0x82B0] =	vst v0  }
0x35: {  	[tilespmem:$0x82C0] =	vst v0  }
0x36: {  	[tilespmem:$0x82D0] =	vst v0  }
0x37: {  	[tilespmem:$0x82E0] =	vst v0  }
0x38: {  	[tilespmem:$0x82F0] =	vst v0  }
0x39: {  	[tilespmem:$0x8300] =	vst v0  }
0x3a: {  	[tilespmem:$0x8310] =	vst v0  }
0x3b: {  	[tilespmem:$0x8320] =	vst v0  }
0x3c: {  	[tilespmem:$0x8330] =	vst v0  }
0x3d: {  	[tilespmem:$0x8340] =	vst v0  }
0x3e: {  	[tilespmem:$0x8350] =	vst v0  }
0x3f: {  	[tilespmem:$0x8360] =	vst v0  }
0x40: {  	[tilespmem:$0x8370] =	vst v0  }
0x41: {  	[tilespmem:$0x8380] =	vst v0  }
0x42: {  	[tilespmem:$0x8390] =	vst v0  }
0x43: {  	[tilespmem:$0x83A0] =	vst v0  }
0x44: {  	[tilespmem:$0x83B0] =	vst v0  }
0x45: {  	[tilespmem:$0x83C0] =	vst v0  }
0x46: {  	[tilespmem:$0x83D0] =	vst v0  }
0x47: {  	[tilespmem:$0x83E0] =	vst v0  }
0x48: {  	[tilespmem:$0x83F0] =	vst v0  }
0x49: {  	[tilespmem:$0x8400] =	vst v0  }
0x4a: {  	[tilespmem:$0x8410] =	vst v0  }
0x4b: {  	[tilespmem:$0x8420] =	vst v0  }
0x4c: {  	[tilespmem:$0x8430] =	vst v0  }
0x4d: {  	[tilespmem:$0x8440] =	vst v0  }
0x4e: {  	[tilespmem:$0x8450] =	vst v0  }
0x4f: {  	[tilespmem:$0x8460] =	vst v0  }
0x50: {  	[tilespmem:$0x8470] =	vst v0  }
0x51: {  	[tilespmem:$0x8480] =	vst v0  }
0x52: {  	[tilespmem:$0x8490] =	vst v0  }
0x53: {  	[tilespmem:$0x84A0] =	vst v0  }
0x54: {  	[tilespmem:$0x84B0] =	vst v0  }
0x55: {  	[tilespmem:$0x84C0] =	vst v0  }
0x56: {  	[tilespmem:$0x84D0] =	vst v0  }
0x57: {  	[tilespmem:$0x84E0] =	vst v0  }
0x58: {  	[tilespmem:$0x84F0] =	vst v0  }
0x59: {  	[tilespmem:$0x8500] =	vst v0  }
0x5a: {  	[tilespmem:$0x8510] =	vst v0  }
0x5b: {  	[tilespmem:$0x8520] =	vst v0  }
0x5c: {  	[tilespmem:$0x8530] =	vst v0  }
0x5d: {  	[tilespmem:$0x8540] =	vst v0  }
0x5e: {  	[tilespmem:$0x8550] =	vst v0  }
0x5f: {  	[tilespmem:$0x8560] =	vst v0  }
0x60: {  	[tilespmem:$0x8570] =	vst v0  }
0x61: {  	[tilespmem:$0x8580] =	vst v0;
	v2 =	vld [tilespmem:$0x0]  }
0x62: {  	[tilespmem:$0x8590] =	vst v0  }
0x63: {  	[tilespmem:$0x85A0] =	vst v0  }
0x64: {  	[tilespmem:$0x85B0] =	vst v0  }
0x65: {  	[tilespmem:$0x85C0] =	vst v0  }
0x66: {  	[tilespmem:$0x85D0] =	vst v0  }
0x67: {  	[tilespmem:$0x85E0] =	vst v0  }
0x68: {  	[tilespmem:$0x85F0] =	vst v0  }
0x69: {  	[tilespmem:v2+s17+$0x0] =	vst.idx.add.f32.msk $0xffff, v1  }
0x6a: {  	v2 =	vld [tilespmem:$0x10];
	_ =	sdelay $0x7  }
0x6b: {  	[tilespmem:v2+s17+$0x0] =	vst.idx.add.f32.msk $0xffff, v1  }
0x6c: {  	v2 =	vld [tilespmem:$0x20];
	_ =	sdelay $0x7  }
0x6d: {  	[tilespmem:v2+s17+$0x0] =	vst.idx.add.f32.msk $0xffff, v1  }
0x6e: {  	v2 =	vld [tilespmem:$0x30];
	_ =	sdelay $0x7  }
0x6f: {  	[tilespmem:v2+s17+$0x0] =	vst.idx.add.f32.msk $0xffff, v1  }
0x70: {  	v2 =	vld [tilespmem:$0x40];
	_ =	sdelay $0x7  }
0x71: {  	[tilespmem:v2+s17+$0x0] =	vst.idx.add.f32.msk $0xffff, v1  }
0x72: {  	v2 =	vld [tilespmem:$0x50];
	_ =	sdelay $0x7  }
0x73: {  	[tilespmem:v2+s17+$0x0] =	vst.idx.add.f32.msk $0xffff, v1  }
0x74: {  	v2 =	vld [tilespmem:$0x60];
	_ =	sdelay $0x7  }
0x75: {  	[tilespmem:v2+s17+$0x0] =	vst.idx.add.f32.msk $0xffff, v1  }
0x76: {  	v2 =	vld [tilespmem:$0x70];
	_ =	sdelay $0x7  }
0x77: {  	[tilespmem:v2+s17+$0x0] =	vst.idx.add.f32.msk $0xffff, v1  }
0x78: {  	v2 =	vld [tilespmem:$0x80];
	_ =	sdelay $0x7  }
0x79: {  	[tilespmem:v2+s17+$0x0] =	vst.idx.add.f32.msk $0xffff, v1  }
0x7a: {  	v2 =	vld [tilespmem:$0x90];
	_ =	sdelay $0x7  }
0x7b: {  	[tilespmem:v2+s17+$0x0] =	vst.idx.add.f32.msk $0xffff, v1  }
0x7c: {  	v2 =	vld [tilespmem:$0xA0];
	_ =	sdelay $0x7  }
0x7d: {  	[tilespmem:v2+s17+$0x0] =	vst.idx.add.f32.msk $0xffff, v1  }
0x7e: {  	v2 =	vld [tilespmem:$0xB0];
	_ =	sdelay $0x7  }
0x7f: {  	[tilespmem:v2+s17+$0x0] =	vst.idx.add.f32.msk $0xffff, v1  }
0x80: {  	v2 =	vld [tilespmem:$0xC0];
	_ =	sdelay $0x7  }
0x81: {  	[tilespmem:v2+s17+$0x0] =	vst.idx.add.f32.msk $0xffff, v1  }
0x82: {  	v2 =	vld [tilespmem:$0xD0];
	_ =	sdelay $0x7  }
0x83: {  	[tilespmem:v2+s17+$0x0] =	vst.idx.add.f32.msk $0xffff, v1  }
0x84: {  	v2 =	vld [tilespmem:$0xE0];
	_ =	sdelay $0x7  }
0x85: {  	[tilespmem:v2+s17+$0x0] =	vst.idx.add.f32.msk $0xffff, v1  }
0x86: {  	v2 =	vld [tilespmem:$0xF0];
	_ =	sdelay $0x7  }
0x87: {  	[tilespmem:v2+s17+$0x0] =	vst.idx.add.f32.msk $0xffff, v1  }
0x88: {  	v2 =	vld [tilespmem:$0x100];
	_ =	sdelay $0x7  }
0x89: {  	[tilespmem:v2+s17+$0x0] =	vst.idx.add.f32.msk $0xffff, v1  }
0x8a: {  	v2 =	vld [tilespmem:$0x110];
	_ =	sdelay $0x7  }
0x8b: {  	[tilespmem:v2+s17+$0x0] =	vst.idx.add.f32.msk $0xffff, v1  }
0x8c: {  	v2 =	vld [tilespmem:$0x120];
	_ =	sdelay $0x7  }
0x8d: {  	[tilespmem:v2+s17+$0x0] =	vst.idx.add.f32.msk $0xffff, v1  }
0x8e: {  	v2 =	vld [tilespmem:$0x130];
	_ =	sdelay $0x7  }
0x8f: {  	[tilespmem:v2+s17+$0x0] =	vst.idx.add.f32.msk $0xffff, v1  }
0x90: {  	v2 =	vld [tilespmem:$0x140];
	_ =	sdelay $0x7  }
0x91: {  	[tilespmem:v2+s17+$0x0] =	vst.idx.add.f32.msk $0xffff, v1  }
0x92: {  	v2 =	vld [tilespmem:$0x150];
	_ =	sdelay $0x7  }
0x93: {  	[tilespmem:v2+s17+$0x0] =	vst.idx.add.f32.msk $0xffff, v1  }
0x94: {  	v2 =	vld [tilespmem:$0x160];
	_ =	sdelay $0x7  }
0x95: {  	[tilespmem:v2+s17+$0x0] =	vst.idx.add.f32.msk $0xffff, v1  }
0x96: {  	v2 =	vld [tilespmem:$0x170];
	_ =	sdelay $0x7  }
0x97: {  	[tilespmem:v2+s17+$0x0] =	vst.idx.add.f32.msk $0xffff, v1  }
0x98: {  	v2 =	vld [tilespmem:$0x180];
	_ =	sdelay $0x7  }
0x99: {  	[tilespmem:v2+s17+$0x0] =	vst.idx.add.f32.msk $0xffff, v1  }
0x9a: {  	v2 =	vld [tilespmem:$0x190];
	_ =	sdelay $0x7  }
0x9b: {  	[tilespmem:v2+s17+$0x0] =	vst.idx.add.f32.msk $0xffff, v1  }
0x9c: {  	v2 =	vld [tilespmem:$0x1A0];
	_ =	sdelay $0x7  }
0x9d: {  	[tilespmem:v2+s17+$0x0] =	vst.idx.add.f32.msk $0xffff, v1  }
0x9e: {  	v2 =	vld [tilespmem:$0x1B0];
	_ =	sdelay $0x7  }
0x9f: {  	[tilespmem:v2+s17+$0x0] =	vst.idx.add.f32.msk $0xffff, v1  }
0xa0: {  	v2 =	vld [tilespmem:$0x1C0];
	_ =	sdelay $0x7  }
0xa1: {  	[tilespmem:v2+s17+$0x0] =	vst.idx.add.f32.msk $0xffff, v1  }
0xa2: {  	v2 =	vld [tilespmem:$0x1D0];
	_ =	sdelay $0x7  }
0xa3: {  	[tilespmem:v2+s17+$0x0] =	vst.idx.add.f32.msk $0xffff, v1  }
0xa4: {  	v2 =	vld [tilespmem:$0x1E0];
	_ =	sdelay $0x7  }
0xa5: {  	[tilespmem:v2+s17+$0x0] =	vst.idx.add.f32.msk $0xffff, v1  }
0xa6: {  	v2 =	vld [tilespmem:$0x1F0];
	_ =	sdelay $0x6  }
0xa7: {  	p0 =	sne.s32 s7, $0x1  }
.Ltmp0:
0xa8: {  	[tilespmem:v2+s17+$0x0] =	vst.idx.add.f32.msk $0xffff, v1;
	(pc) =	sbr.rel @p0 .LBB2_1-.Ltmp0, $4  }
0xa9: {  	[hbm4b:s6+s2] =	stream.linear.scatter [tilespmem:s17], [sflag:$0x2], $0x400, $0x38;
	[tilespmem:$0x8600] =	vst v63  }
0xaa: {  	_ =	swait.ge [sflag:s8], $0x400  }
0xab: {  	[sflag:s8] =	ssyncset.done $0x0  }
0xac: {  	s7 =	sadd.s32 $0xFFFFFFFF, s7;
	[sflag:s8] =	ssyncadd.s32 $0xFFFFFC00  }
0xad: {  	_ =	sfence.sel $0x180000  }
0xae: {  	[bflag:$0x0] =	sbarrier.arrive $0xFFFF  }
0xaf: {  	p0 =	sne.s32 s1, $0x0;
	_ =	strace $0x90000047  }
0xb0: {  	s0 =	sadd.s32 @!p0 $0x100000, s0;
	[bflag:$0x2] =	sbarrier.arrive $0xFFFF  }
0xb1: {  	[sflag:s0] =	ssyncadd.tile.s32 @!p0 $0x1;
	_ =	shalt  }
.Lfunc_end2:
_tile_overlayer_lowered:
.L_overlay_start_2:
0xb2: {  	(tag) =	ssettag $0x2  }
0xb3: {  	s0 =	rddreg [dreg:$0x0];
	s2 =	stileid.u32  }
0xb4: {  	s1 =	rddreg [dreg:$0x1];
	p0 =	sne.s32 s2, $0x0  }
0xb5: {  	s3 =	rddreg [dreg:$0x2];
	[bflag:$0x3] =	sbarrier.arrive $0xFFFF;
	s2 =	simm.s32 @!p0 $0x1C02  }
0xb6: {  	[timem:s3], [sflag:s2] =	dma.local @!p0 [hbm:s0], s1  }
0xb7: {  	s0 =	simm.s32 @!p0 $0x2  }
0xb8: {  	_ =	swait.ge @!p0 [sflag:s0], s1  }
0xb9: {  	s1 =	ssub.s32 @!p0 $0x0, s1;
	[sflag:s0] =	ssyncset.done @!p0 $0x0  }
0xba: {  	[sflag:s0] =	ssyncadd.s32 @!p0 s1  }
0xbb: {  	[bflag:$0x3] =	sbarrier.arrive $0xFFFF  }
0xbc: {  	_ =	shalt  }

</sc_bundles>
